<compile_context>
chip_gen: v7x
topology: tpu7x:2x2x1
jax: 0.10.2.dev20260603
libtpu: 0.0.44.dev20260713+nightly
codegen_flags: <defaults>
</compile_context>

<pallas_src>
import functools

import jax
import jax.numpy as jnp
from jax import lax
from jax.experimental import pallas as pl
from jax.experimental.pallas import tpu as pltpu
from jax.experimental.pallas import tpu_sc as plsc

MODEL_DIM = 2048
NUM_EXPERTS = 16
TOP_K = 2
TILE = 1024
N_SUBCORES = 32
LANES = 16


def _matmul_body(x_ref, w_ref, logits_ref):
    logits_ref[...] = jax.lax.dot_general(
        w_ref[...], x_ref[...], (((1,), (1,)), ((), ())),
        preferred_element_type=jnp.float32)


def _gate_logits_t(x, W):
    n_tokens = x.shape[0]
    return pl.pallas_call(
        _matmul_body,
        grid=(n_tokens // TILE,),
        in_specs=[
            pl.BlockSpec((TILE, MODEL_DIM), lambda i: (i, 0)),
            pl.BlockSpec((NUM_EXPERTS, MODEL_DIM), lambda i: (0, 0)),
        ],
        out_specs=pl.BlockSpec((NUM_EXPERTS, TILE), lambda i: (0, i)),
        out_shape=jax.ShapeDtypeStruct((NUM_EXPERTS, n_tokens), jnp.float32),
        compiler_params=pltpu.CompilerParams(
            dimension_semantics=("arbitrary",),
            vmem_limit_bytes=50 * 1024 * 1024,
        ),
    )(x, W)


def _topk_body(n_tokens, toks_per_sub, lg_flat_hbm, wts_hbm, idx_hbm,
               lg_v, w1_v, w2_v, i1_v, i2_v):
    wid = lax.axis_index("s") * 2 + lax.axis_index("c")
    base = wid * toks_per_sub
    for e in range(NUM_EXPERTS):
        pltpu.sync_copy(
            lg_flat_hbm.at[pl.ds(e * n_tokens + base, toks_per_sub)],
            lg_v.at[pl.ds(e * toks_per_sub, toks_per_sub)])

    n_blocks = toks_per_sub // LANES

    def block(b, carry):
        pos = b * LANES + lax.iota(jnp.int32, LANES)
        m1 = lg_v[pl.ds(b * LANES, LANES)]
        i1 = jnp.zeros((LANES,), jnp.int32)
        m2 = jnp.full((LANES,), -jnp.inf, jnp.float32)
        i2 = jnp.zeros((LANES,), jnp.int32)
        for e in range(1, NUM_EXPERTS):
            v = lg_v[pl.ds(e * toks_per_sub + b * LANES, LANES)]
            ev = jnp.full((LANES,), e, jnp.int32)
            gt1 = v > m1
            gt2 = v > m2
            m2 = jnp.where(gt1, m1, jnp.where(gt2, v, m2))
            i2 = jnp.where(gt1, i1, jnp.where(gt2, ev, i2))
            m1 = jnp.where(gt1, v, m1)
            i1 = jnp.where(gt1, ev, i1)
        e2 = jnp.exp(m2 - m1)
        w1 = 1.0 / (1.0 + e2)
        w2 = e2 * w1
        sl = pl.ds(b * LANES, LANES)
        w1_v[sl] = w1
        w2_v[sl] = w2
        i1_v[sl] = i1
        i2_v[sl] = i2
        return carry

    lax.fori_loop(0, n_blocks, block, 0)
    pltpu.sync_copy(w1_v, wts_hbm.at[pl.ds(base, toks_per_sub)])
    pltpu.sync_copy(w2_v, wts_hbm.at[pl.ds(n_tokens + base, toks_per_sub)])
    pltpu.sync_copy(i1_v, idx_hbm.at[pl.ds(base, toks_per_sub)])
    pltpu.sync_copy(i2_v, idx_hbm.at[pl.ds(n_tokens + base, toks_per_sub)])


def _topk_softmax_sc(logits_t):
    n_tokens = logits_t.shape[1]
    toks_per_sub = n_tokens // N_SUBCORES
    mesh = plsc.VectorSubcoreMesh(core_axis_name="c", subcore_axis_name="s")
    wts_flat, idx_flat = pl.kernel(
        functools.partial(_topk_body, n_tokens, toks_per_sub),
        out_type=[
            jax.ShapeDtypeStruct((TOP_K * n_tokens,), jnp.float32),
            jax.ShapeDtypeStruct((TOP_K * n_tokens,), jnp.int32),
        ],
        mesh=mesh,
        scratch_types=[
            pltpu.VMEM((toks_per_sub * NUM_EXPERTS,), jnp.float32),
            pltpu.VMEM((toks_per_sub,), jnp.float32),
            pltpu.VMEM((toks_per_sub,), jnp.float32),
            pltpu.VMEM((toks_per_sub,), jnp.int32),
            pltpu.VMEM((toks_per_sub,), jnp.int32),
        ],
        compiler_params=pltpu.CompilerParams(needs_layout_passes=False),
    )(logits_t.reshape(NUM_EXPERTS * n_tokens))
    return (wts_flat.reshape(TOP_K, n_tokens).T,
            idx_flat.reshape(TOP_K, n_tokens).T)


@jax.jit
def kernel(x, W):
    logits_t = _gate_logits_t(x, W)
    wts, idx = _topk_softmax_sc(logits_t)
    return wts, idx, logits_t.T

# --- scband reference (transcript-rebuilt; emitter-appended) ---
"""Pipeline reference for scband-standard-top-kgating-40235253629030 (READ-ONLY COPY).

The authoritative reference and input builder live on the scoring server;
editing this copy changes nothing except your own understanding.
"""

import jax, jax.numpy as jnp
import numpy as np

MODEL_DIM = 2048
NUM_EXPERTS = 16
TOP_K = 2
N_TOKENS = 16384


def setup_inputs(seed: int = 0) -> dict:
    key = jax.random.key(seed)
    kx, kw = jax.random.split(key)
    x = jax.random.normal(kx, (N_TOKENS, MODEL_DIM), dtype=jnp.float32)
    # nn.Linear(model_dim, num_experts, bias=False) -> weight shape [num_experts, model_dim]
    bound = 1.0 / np.sqrt(MODEL_DIM)
    W = jax.random.uniform(kw, (NUM_EXPERTS, MODEL_DIM), dtype=jnp.float32, minval=-bound, maxval=bound)
    return {"x": x, "W": W}


def reference(x, W):
    # gate_logits = x @ W.T  (nn.Linear without bias)
    gate_logits = jnp.dot(x, W.T)
    # top-k selection over experts
    top_k_logits, top_k_indices = jax.lax.top_k(gate_logits, TOP_K)
    # softmax over selected expert logits (computed in float32)
    combined_weights = jax.nn.softmax(top_k_logits.astype(jnp.float32), axis=-1)
    return combined_weights, top_k_indices, gate_logits

if __name__ == "__main__":
    import jax
    _d = setup_inputs()
    print(jax.jit(kernel)(*tuple(_d.values())))

</pallas_src>

<mosaic_0001>
#map = affine_map<(d0, d1) -> (0)>
module attributes {stable_mosaic.version = 14 : i64} {
  func.func @_topk_body(%arg0: i32, %arg1: i32, %arg2: memref<262144xf32, #tpu.memory_space<hbm>>, %arg3: memref<32768xf32, #tpu.memory_space<hbm>>, %arg4: memref<32768xi32, #tpu.memory_space<hbm>>, %arg5: memref<8192xf32, #tpu.memory_space<vmem>>, %arg6: memref<512xf32, #tpu.memory_space<vmem>>, %arg7: memref<512xf32, #tpu.memory_space<vmem>>, %arg8: memref<512xi32, #tpu.memory_space<vmem>>, %arg9: memref<512xi32, #tpu.memory_space<vmem>>) attributes {dimension_semantics = [#tpu.dimension_semantics<core_parallel>, #tpu.dimension_semantics<subcore_parallel>], iteration_bounds = array<i64: 2, 16>, scalar_prefetch = 0 : i64, scratch_operands = 5 : i64, tpu.core_type = #tpu.core_type<sc_vector_subcore>, window_params = [{transform_indices = #map}, {transform_indices = #map}, {transform_indices = #map}]} {
    %mul3A = arith.constant 2 : i32
    %mul3A_0 = arith.muli %arg1, %mul3A : i32
    %add3A = arith.addi %mul3A_0, %arg0 : i32
    %mul3A_1 = arith.constant 512 : i32
    %mul3A_2 = arith.muli %add3A, %mul3A_1 : i32
    %add3A_3 = arith.constant 0 : i32
    %add3A_4 = arith.addi %add3A_3, %mul3A_2 : i32
    "tpu.region"() ({
      %run_scoped3A = tpu.sem_alloc : memref<!tpu.dma_semaphore, #tpu.memory_space<semaphore_mem>>
      %dma_start3A = arith.constant 0 : i32
      %dma_start3A_44 = tpu.memref_slice %arg5[%dma_start3A] : memref<8192xf32, #tpu.memory_space<vmem>> -> memref<512xf32, #tpu.memory_space<vmem>>
      %dma_start3A_45 = tpu.memref_slice %arg2[%add3A_4] : memref<262144xf32, #tpu.memory_space<hbm>> -> memref<512xf32, #tpu.memory_space<hbm>>
      %dma_start3A_46 = arith.constant 0 : i32
      %dma_start3A_47 = tpu.memref_slice %arg5[%dma_start3A_46] : memref<8192xf32, #tpu.memory_space<vmem>> -> memref<512xf32, #tpu.memory_space<vmem>>
      %dma_start3A_48 = tpu.memref_slice %arg2[%add3A_4] : memref<262144xf32, #tpu.memory_space<hbm>> -> memref<512xf32, #tpu.memory_space<hbm>>
      tpu.enqueue_dma source(%dma_start3A_48 : memref<512xf32, #tpu.memory_space<hbm>>) target(%dma_start3A_47 : memref<512xf32, #tpu.memory_space<vmem>>) target_semaphore(%run_scoped3A : memref<!tpu.dma_semaphore, #tpu.memory_space<semaphore_mem>>)
      %dma_wait3A = arith.constant 0 : i32
      %dma_wait3A_49 = tpu.memref_slice %arg5[%dma_wait3A] : memref<8192xf32, #tpu.memory_space<vmem>> -> memref<512xf32, #tpu.memory_space<vmem>>
      %dma_wait3A_50 = tpu.memref_slice %arg2[%add3A_4] : memref<262144xf32, #tpu.memory_space<hbm>> -> memref<512xf32, #tpu.memory_space<hbm>>
      %dma_wait3A_51 = arith.constant 0 : i32
      %dma_wait3A_52 = tpu.memref_slice %arg5[%dma_wait3A_51] : memref<8192xf32, #tpu.memory_space<vmem>> -> memref<512xf32, #tpu.memory_space<vmem>>
      %dma_wait3A_53 = tpu.memref_slice %arg2[%add3A_4] : memref<262144xf32, #tpu.memory_space<hbm>> -> memref<512xf32, #tpu.memory_space<hbm>>
      tpu.wait_dma2 semaphore(%run_scoped3A : memref<!tpu.dma_semaphore, #tpu.memory_space<semaphore_mem>>) src(%dma_wait3A_53 : memref<512xf32, #tpu.memory_space<hbm>>) dst(%dma_wait3A_52 : memref<512xf32, #tpu.memory_space<vmem>>)
      tpu.yield
    }) : () -> ()
    %add3A_5 = arith.constant 16384 : i32
    %add3A_6 = arith.addi %add3A_5, %mul3A_2 : i32
    "tpu.region"() ({
      %run_scoped3A = tpu.sem_alloc : memref<!tpu.dma_semaphore, #tpu.memory_space<semaphore_mem>>
      %dma_start3A = arith.constant 512 : i32
      %dma_start3A_44 = tpu.memref_slice %arg5[%dma_start3A] : memref<8192xf32, #tpu.memory_space<vmem>> -> memref<512xf32, #tpu.memory_space<vmem>>
      %dma_start3A_45 = tpu.memref_slice %arg2[%add3A_6] : memref<262144xf32, #tpu.memory_space<hbm>> -> memref<512xf32, #tpu.memory_space<hbm>>
      %dma_start3A_46 = arith.constant 512 : i32
      %dma_start3A_47 = tpu.memref_slice %arg5[%dma_start3A_46] : memref<8192xf32, #tpu.memory_space<vmem>> -> memref<512xf32, #tpu.memory_space<vmem>>
      %dma_start3A_48 = tpu.memref_slice %arg2[%add3A_6] : memref<262144xf32, #tpu.memory_space<hbm>> -> memref<512xf32, #tpu.memory_space<hbm>>
      tpu.enqueue_dma source(%dma_start3A_48 : memref<512xf32, #tpu.memory_space<hbm>>) target(%dma_start3A_47 : memref<512xf32, #tpu.memory_space<vmem>>) target_semaphore(%run_scoped3A : memref<!tpu.dma_semaphore, #tpu.memory_space<semaphore_mem>>)
      %dma_wait3A = arith.constant 512 : i32
      %dma_wait3A_49 = tpu.memref_slice %arg5[%dma_wait3A] : memref<8192xf32, #tpu.memory_space<vmem>> -> memref<512xf32, #tpu.memory_space<vmem>>
      %dma_wait3A_50 = tpu.memref_slice %arg2[%add3A_6] : memref<262144xf32, #tpu.memory_space<hbm>> -> memref<512xf32, #tpu.memory_space<hbm>>
      %dma_wait3A_51 = arith.constant 512 : i32
      %dma_wait3A_52 = tpu.memref_slice %arg5[%dma_wait3A_51] : memref<8192xf32, #tpu.memory_space<vmem>> -> memref<512xf32, #tpu.memory_space<vmem>>
      %dma_wait3A_53 = tpu.memref_slice %arg2[%add3A_6] : memref<262144xf32, #tpu.memory_space<hbm>> -> memref<512xf32, #tpu.memory_space<hbm>>
      tpu.wait_dma2 semaphore(%run_scoped3A : memref<!tpu.dma_semaphore, #tpu.memory_space<semaphore_mem>>) src(%dma_wait3A_53 : memref<512xf32, #tpu.memory_space<hbm>>) dst(%dma_wait3A_52 : memref<512xf32, #tpu.memory_space<vmem>>)
      tpu.yield
    }) : () -> ()
    %add3A_7 = arith.constant 32768 : i32
    %add3A_8 = arith.addi %add3A_7, %mul3A_2 : i32
    "tpu.region"() ({
      %run_scoped3A = tpu.sem_alloc : memref<!tpu.dma_semaphore, #tpu.memory_space<semaphore_mem>>
      %dma_start3A = arith.constant 1024 : i32
      %dma_start3A_44 = tpu.memref_slice %arg5[%dma_start3A] : memref<8192xf32, #tpu.memory_space<vmem>> -> memref<512xf32, #tpu.memory_space<vmem>>
      %dma_start3A_45 = tpu.memref_slice %arg2[%add3A_8] : memref<262144xf32, #tpu.memory_space<hbm>> -> memref<512xf32, #tpu.memory_space<hbm>>
      %dma_start3A_46 = arith.constant 1024 : i32
      %dma_start3A_47 = tpu.memref_slice %arg5[%dma_start3A_46] : memref<8192xf32, #tpu.memory_space<vmem>> -> memref<512xf32, #tpu.memory_space<vmem>>
      %dma_start3A_48 = tpu.memref_slice %arg2[%add3A_8] : memref<262144xf32, #tpu.memory_space<hbm>> -> memref<512xf32, #tpu.memory_space<hbm>>
      tpu.enqueue_dma source(%dma_start3A_48 : memref<512xf32, #tpu.memory_space<hbm>>) target(%dma_start3A_47 : memref<512xf32, #tpu.memory_space<vmem>>) target_semaphore(%run_scoped3A : memref<!tpu.dma_semaphore, #tpu.memory_space<semaphore_mem>>)
      %dma_wait3A = arith.constant 1024 : i32
      %dma_wait3A_49 = tpu.memref_slice %arg5[%dma_wait3A] : memref<8192xf32, #tpu.memory_space<vmem>> -> memref<512xf32, #tpu.memory_space<vmem>>
      %dma_wait3A_50 = tpu.memref_slice %arg2[%add3A_8] : memref<262144xf32, #tpu.memory_space<hbm>> -> memref<512xf32, #tpu.memory_space<hbm>>
      %dma_wait3A_51 = arith.constant 1024 : i32
      %dma_wait3A_52 = tpu.memref_slice %arg5[%dma_wait3A_51] : memref<8192xf32, #tpu.memory_space<vmem>> -> memref<512xf32, #tpu.memory_space<vmem>>
      %dma_wait3A_53 = tpu.memref_slice %arg2[%add3A_8] : memref<262144xf32, #tpu.memory_space<hbm>> -> memref<512xf32, #tpu.memory_space<hbm>>
      tpu.wait_dma2 semaphore(%run_scoped3A : memref<!tpu.dma_semaphore, #tpu.memory_space<semaphore_mem>>) src(%dma_wait3A_53 : memref<512xf32, #tpu.memory_space<hbm>>) dst(%dma_wait3A_52 : memref<512xf32, #tpu.memory_space<vmem>>)
      tpu.yield
    }) : () -> ()
    %add3A_9 = arith.constant 49152 : i32
    %add3A_10 = arith.addi %add3A_9, %mul3A_2 : i32
    "tpu.region"() ({
      %run_scoped3A = tpu.sem_alloc : memref<!tpu.dma_semaphore, #tpu.memory_space<semaphore_mem>>
      %dma_start3A = arith.constant 1536 : i32
      %dma_start3A_44 = tpu.memref_slice %arg5[%dma_start3A] : memref<8192xf32, #tpu.memory_space<vmem>> -> memref<512xf32, #tpu.memory_space<vmem>>
      %dma_start3A_45 = tpu.memref_slice %arg2[%add3A_10] : memref<262144xf32, #tpu.memory_space<hbm>> -> memref<512xf32, #tpu.memory_space<hbm>>
      %dma_start3A_46 = arith.constant 1536 : i32
      %dma_start3A_47 = tpu.memref_slice %arg5[%dma_start3A_46] : memref<8192xf32, #tpu.memory_space<vmem>> -> memref<512xf32, #tpu.memory_space<vmem>>
      %dma_start3A_48 = tpu.memref_slice %arg2[%add3A_10] : memref<262144xf32, #tpu.memory_space<hbm>> -> memref<512xf32, #tpu.memory_space<hbm>>
      tpu.enqueue_dma source(%dma_start3A_48 : memref<512xf32, #tpu.memory_space<hbm>>) target(%dma_start3A_47 : memref<512xf32, #tpu.memory_space<vmem>>) target_semaphore(%run_scoped3A : memref<!tpu.dma_semaphore, #tpu.memory_space<semaphore_mem>>)
      %dma_wait3A = arith.constant 1536 : i32
      %dma_wait3A_49 = tpu.memref_slice %arg5[%dma_wait3A] : memref<8192xf32, #tpu.memory_space<vmem>> -> memref<512xf32, #tpu.memory_space<vmem>>
      %dma_wait3A_50 = tpu.memref_slice %arg2[%add3A_10] : memref<262144xf32, #tpu.memory_space<hbm>> -> memref<512xf32, #tpu.memory_space<hbm>>
      %dma_wait3A_51 = arith.constant 1536 : i32
      %dma_wait3A_52 = tpu.memref_slice %arg5[%dma_wait3A_51] : memref<8192xf32, #tpu.memory_space<vmem>> -> memref<512xf32, #tpu.memory_space<vmem>>
      %dma_wait3A_53 = tpu.memref_slice %arg2[%add3A_10] : memref<262144xf32, #tpu.memory_space<hbm>> -> memref<512xf32, #tpu.memory_space<hbm>>
      tpu.wait_dma2 semaphore(%run_scoped3A : memref<!tpu.dma_semaphore, #tpu.memory_space<semaphore_mem>>) src(%dma_wait3A_53 : memref<512xf32, #tpu.memory_space<hbm>>) dst(%dma_wait3A_52 : memref<512xf32, #tpu.memory_space<vmem>>)
      tpu.yield
    }) : () -> ()
    %add3A_11 = arith.constant 65536 : i32
    %add3A_12 = arith.addi %add3A_11, %mul3A_2 : i32
    "tpu.region"() ({
      %run_scoped3A = tpu.sem_alloc : memref<!tpu.dma_semaphore, #tpu.memory_space<semaphore_mem>>
      %dma_start3A = arith.constant 2048 : i32
      %dma_start3A_44 = tpu.memref_slice %arg5[%dma_start3A] : memref<8192xf32, #tpu.memory_space<vmem>> -> memref<512xf32, #tpu.memory_space<vmem>>
      %dma_start3A_45 = tpu.memref_slice %arg2[%add3A_12] : memref<262144xf32, #tpu.memory_space<hbm>> -> memref<512xf32, #tpu.memory_space<hbm>>
      %dma_start3A_46 = arith.constant 2048 : i32
      %dma_start3A_47 = tpu.memref_slice %arg5[%dma_start3A_46] : memref<8192xf32, #tpu.memory_space<vmem>> -> memref<512xf32, #tpu.memory_space<vmem>>
      %dma_start3A_48 = tpu.memref_slice %arg2[%add3A_12] : memref<262144xf32, #tpu.memory_space<hbm>> -> memref<512xf32, #tpu.memory_space<hbm>>
      tpu.enqueue_dma source(%dma_start3A_48 : memref<512xf32, #tpu.memory_space<hbm>>) target(%dma_start3A_47 : memref<512xf32, #tpu.memory_space<vmem>>) target_semaphore(%run_scoped3A : memref<!tpu.dma_semaphore, #tpu.memory_space<semaphore_mem>>)
      %dma_wait3A = arith.constant 2048 : i32
      %dma_wait3A_49 = tpu.memref_slice %arg5[%dma_wait3A] : memref<8192xf32, #tpu.memory_space<vmem>> -> memref<512xf32, #tpu.memory_space<vmem>>
      %dma_wait3A_50 = tpu.memref_slice %arg2[%add3A_12] : memref<262144xf32, #tpu.memory_space<hbm>> -> memref<512xf32, #tpu.memory_space<hbm>>
      %dma_wait3A_51 = arith.constant 2048 : i32
      %dma_wait3A_52 = tpu.memref_slice %arg5[%dma_wait3A_51] : memref<8192xf32, #tpu.memory_space<vmem>> -> memref<512xf32, #tpu.memory_space<vmem>>
      %dma_wait3A_53 = tpu.memref_slice %arg2[%add3A_12] : memref<262144xf32, #tpu.memory_space<hbm>> -> memref<512xf32, #tpu.memory_space<hbm>>
      tpu.wait_dma2 semaphore(%run_scoped3A : memref<!tpu.dma_semaphore, #tpu.memory_space<semaphore_mem>>) src(%dma_wait3A_53 : memref<512xf32, #tpu.memory_space<hbm>>) dst(%dma_wait3A_52 : memref<512xf32, #tpu.memory_space<vmem>>)
      tpu.yield
    }) : () -> ()
    %add3A_13 = arith.constant 81920 : i32
    %add3A_14 = arith.addi %add3A_13, %mul3A_2 : i32
    "tpu.region"() ({
      %run_scoped3A = tpu.sem_alloc : memref<!tpu.dma_semaphore, #tpu.memory_space<semaphore_mem>>
      %dma_start3A = arith.constant 2560 : i32
      %dma_start3A_44 = tpu.memref_slice %arg5[%dma_start3A] : memref<8192xf32, #tpu.memory_space<vmem>> -> memref<512xf32, #tpu.memory_space<vmem>>
      %dma_start3A_45 = tpu.memref_slice %arg2[%add3A_14] : memref<262144xf32, #tpu.memory_space<hbm>> -> memref<512xf32, #tpu.memory_space<hbm>>
      %dma_start3A_46 = arith.constant 2560 : i32
      %dma_start3A_47 = tpu.memref_slice %arg5[%dma_start3A_46] : memref<8192xf32, #tpu.memory_space<vmem>> -> memref<512xf32, #tpu.memory_space<vmem>>
      %dma_start3A_48 = tpu.memref_slice %arg2[%add3A_14] : memref<262144xf32, #tpu.memory_space<hbm>> -> memref<512xf32, #tpu.memory_space<hbm>>
      tpu.enqueue_dma source(%dma_start3A_48 : memref<512xf32, #tpu.memory_space<hbm>>) target(%dma_start3A_47 : memref<512xf32, #tpu.memory_space<vmem>>) target_semaphore(%run_scoped3A : memref<!tpu.dma_semaphore, #tpu.memory_space<semaphore_mem>>)
      %dma_wait3A = arith.constant 2560 : i32
      %dma_wait3A_49 = tpu.memref_slice %arg5[%dma_wait3A] : memref<8192xf32, #tpu.memory_space<vmem>> -> memref<512xf32, #tpu.memory_space<vmem>>
      %dma_wait3A_50 = tpu.memref_slice %arg2[%add3A_14] : memref<262144xf32, #tpu.memory_space<hbm>> -> memref<512xf32, #tpu.memory_space<hbm>>
      %dma_wait3A_51 = arith.constant 2560 : i32
      %dma_wait3A_52 = tpu.memref_slice %arg5[%dma_wait3A_51] : memref<8192xf32, #tpu.memory_space<vmem>> -> memref<512xf32, #tpu.memory_space<vmem>>
      %dma_wait3A_53 = tpu.memref_slice %arg2[%add3A_14] : memref<262144xf32, #tpu.memory_space<hbm>> -> memref<512xf32, #tpu.memory_space<hbm>>
      tpu.wait_dma2 semaphore(%run_scoped3A : memref<!tpu.dma_semaphore, #tpu.memory_space<semaphore_mem>>) src(%dma_wait3A_53 : memref<512xf32, #tpu.memory_space<hbm>>) dst(%dma_wait3A_52 : memref<512xf32, #tpu.memory_space<vmem>>)
      tpu.yield
    }) : () -> ()
    %add3A_15 = arith.constant 98304 : i32
    %add3A_16 = arith.addi %add3A_15, %mul3A_2 : i32
    "tpu.region"() ({
      %run_scoped3A = tpu.sem_alloc : memref<!tpu.dma_semaphore, #tpu.memory_space<semaphore_mem>>
      %dma_start3A = arith.constant 3072 : i32
      %dma_start3A_44 = tpu.memref_slice %arg5[%dma_start3A] : memref<8192xf32, #tpu.memory_space<vmem>> -> memref<512xf32, #tpu.memory_space<vmem>>
      %dma_start3A_45 = tpu.memref_slice %arg2[%add3A_16] : memref<262144xf32, #tpu.memory_space<hbm>> -> memref<512xf32, #tpu.memory_space<hbm>>
      %dma_start3A_46 = arith.constant 3072 : i32
      %dma_start3A_47 = tpu.memref_slice %arg5[%dma_start3A_46] : memref<8192xf32, #tpu.memory_space<vmem>> -> memref<512xf32, #tpu.memory_space<vmem>>
      %dma_start3A_48 = tpu.memref_slice %arg2[%add3A_16] : memref<262144xf32, #tpu.memory_space<hbm>> -> memref<512xf32, #tpu.memory_space<hbm>>
      tpu.enqueue_dma source(%dma_start3A_48 : memref<512xf32, #tpu.memory_space<hbm>>) target(%dma_start3A_47 : memref<512xf32, #tpu.memory_space<vmem>>) target_semaphore(%run_scoped3A : memref<!tpu.dma_semaphore, #tpu.memory_space<semaphore_mem>>)
      %dma_wait3A = arith.constant 3072 : i32
      %dma_wait3A_49 = tpu.memref_slice %arg5[%dma_wait3A] : memref<8192xf32, #tpu.memory_space<vmem>> -> memref<512xf32, #tpu.memory_space<vmem>>
      %dma_wait3A_50 = tpu.memref_slice %arg2[%add3A_16] : memref<262144xf32, #tpu.memory_space<hbm>> -> memref<512xf32, #tpu.memory_space<hbm>>
      %dma_wait3A_51 = arith.constant 3072 : i32
      %dma_wait3A_52 = tpu.memref_slice %arg5[%dma_wait3A_51] : memref<8192xf32, #tpu.memory_space<vmem>> -> memref<512xf32, #tpu.memory_space<vmem>>
      %dma_wait3A_53 = tpu.memref_slice %arg2[%add3A_16] : memref<262144xf32, #tpu.memory_space<hbm>> -> memref<512xf32, #tpu.memory_space<hbm>>
      tpu.wait_dma2 semaphore(%run_scoped3A : memref<!tpu.dma_semaphore, #tpu.memory_space<semaphore_mem>>) src(%dma_wait3A_53 : memref<512xf32, #tpu.memory_space<hbm>>) dst(%dma_wait3A_52 : memref<512xf32, #tpu.memory_space<vmem>>)
      tpu.yield
    }) : () -> ()
    %add3A_17 = arith.constant 114688 : i32
    %add3A_18 = arith.addi %add3A_17, %mul3A_2 : i32
    "tpu.region"() ({
      %run_scoped3A = tpu.sem_alloc : memref<!tpu.dma_semaphore, #tpu.memory_space<semaphore_mem>>
      %dma_start3A = arith.constant 3584 : i32
      %dma_start3A_44 = tpu.memref_slice %arg5[%dma_start3A] : memref<8192xf32, #tpu.memory_space<vmem>> -> memref<512xf32, #tpu.memory_space<vmem>>
      %dma_start3A_45 = tpu.memref_slice %arg2[%add3A_18] : memref<262144xf32, #tpu.memory_space<hbm>> -> memref<512xf32, #tpu.memory_space<hbm>>
      %dma_start3A_46 = arith.constant 3584 : i32
      %dma_start3A_47 = tpu.memref_slice %arg5[%dma_start3A_46] : memref<8192xf32, #tpu.memory_space<vmem>> -> memref<512xf32, #tpu.memory_space<vmem>>
      %dma_start3A_48 = tpu.memref_slice %arg2[%add3A_18] : memref<262144xf32, #tpu.memory_space<hbm>> -> memref<512xf32, #tpu.memory_space<hbm>>
      tpu.enqueue_dma source(%dma_start3A_48 : memref<512xf32, #tpu.memory_space<hbm>>) target(%dma_start3A_47 : memref<512xf32, #tpu.memory_space<vmem>>) target_semaphore(%run_scoped3A : memref<!tpu.dma_semaphore, #tpu.memory_space<semaphore_mem>>)
      %dma_wait3A = arith.constant 3584 : i32
      %dma_wait3A_49 = tpu.memref_slice %arg5[%dma_wait3A] : memref<8192xf32, #tpu.memory_space<vmem>> -> memref<512xf32, #tpu.memory_space<vmem>>
      %dma_wait3A_50 = tpu.memref_slice %arg2[%add3A_18] : memref<262144xf32, #tpu.memory_space<hbm>> -> memref<512xf32, #tpu.memory_space<hbm>>
      %dma_wait3A_51 = arith.constant 3584 : i32
      %dma_wait3A_52 = tpu.memref_slice %arg5[%dma_wait3A_51] : memref<8192xf32, #tpu.memory_space<vmem>> -> memref<512xf32, #tpu.memory_space<vmem>>
      %dma_wait3A_53 = tpu.memref_slice %arg2[%add3A_18] : memref<262144xf32, #tpu.memory_space<hbm>> -> memref<512xf32, #tpu.memory_space<hbm>>
      tpu.wait_dma2 semaphore(%run_scoped3A : memref<!tpu.dma_semaphore, #tpu.memory_space<semaphore_mem>>) src(%dma_wait3A_53 : memref<512xf32, #tpu.memory_space<hbm>>) dst(%dma_wait3A_52 : memref<512xf32, #tpu.memory_space<vmem>>)
      tpu.yield
    }) : () -> ()
    %add3A_19 = arith.constant 131072 : i32
    %add3A_20 = arith.addi %add3A_19, %mul3A_2 : i32
    "tpu.region"() ({
      %run_scoped3A = tpu.sem_alloc : memref<!tpu.dma_semaphore, #tpu.memory_space<semaphore_mem>>
      %dma_start3A = arith.constant 4096 : i32
      %dma_start3A_44 = tpu.memref_slice %arg5[%dma_start3A] : memref<8192xf32, #tpu.memory_space<vmem>> -> memref<512xf32, #tpu.memory_space<vmem>>
      %dma_start3A_45 = tpu.memref_slice %arg2[%add3A_20] : memref<262144xf32, #tpu.memory_space<hbm>> -> memref<512xf32, #tpu.memory_space<hbm>>
      %dma_start3A_46 = arith.constant 4096 : i32
      %dma_start3A_47 = tpu.memref_slice %arg5[%dma_start3A_46] : memref<8192xf32, #tpu.memory_space<vmem>> -> memref<512xf32, #tpu.memory_space<vmem>>
      %dma_start3A_48 = tpu.memref_slice %arg2[%add3A_20] : memref<262144xf32, #tpu.memory_space<hbm>> -> memref<512xf32, #tpu.memory_space<hbm>>
      tpu.enqueue_dma source(%dma_start3A_48 : memref<512xf32, #tpu.memory_space<hbm>>) target(%dma_start3A_47 : memref<512xf32, #tpu.memory_space<vmem>>) target_semaphore(%run_scoped3A : memref<!tpu.dma_semaphore, #tpu.memory_space<semaphore_mem>>)
      %dma_wait3A = arith.constant 4096 : i32
      %dma_wait3A_49 = tpu.memref_slice %arg5[%dma_wait3A] : memref<8192xf32, #tpu.memory_space<vmem>> -> memref<512xf32, #tpu.memory_space<vmem>>
      %dma_wait3A_50 = tpu.memref_slice %arg2[%add3A_20] : memref<262144xf32, #tpu.memory_space<hbm>> -> memref<512xf32, #tpu.memory_space<hbm>>
      %dma_wait3A_51 = arith.constant 4096 : i32
      %dma_wait3A_52 = tpu.memref_slice %arg5[%dma_wait3A_51] : memref<8192xf32, #tpu.memory_space<vmem>> -> memref<512xf32, #tpu.memory_space<vmem>>
      %dma_wait3A_53 = tpu.memref_slice %arg2[%add3A_20] : memref<262144xf32, #tpu.memory_space<hbm>> -> memref<512xf32, #tpu.memory_space<hbm>>
      tpu.wait_dma2 semaphore(%run_scoped3A : memref<!tpu.dma_semaphore, #tpu.memory_space<semaphore_mem>>) src(%dma_wait3A_53 : memref<512xf32, #tpu.memory_space<hbm>>) dst(%dma_wait3A_52 : memref<512xf32, #tpu.memory_space<vmem>>)
      tpu.yield
    }) : () -> ()
    %add3A_21 = arith.constant 147456 : i32
    %add3A_22 = arith.addi %add3A_21, %mul3A_2 : i32
    "tpu.region"() ({
      %run_scoped3A = tpu.sem_alloc : memref<!tpu.dma_semaphore, #tpu.memory_space<semaphore_mem>>
      %dma_start3A = arith.constant 4608 : i32
      %dma_start3A_44 = tpu.memref_slice %arg5[%dma_start3A] : memref<8192xf32, #tpu.memory_space<vmem>> -> memref<512xf32, #tpu.memory_space<vmem>>
      %dma_start3A_45 = tpu.memref_slice %arg2[%add3A_22] : memref<262144xf32, #tpu.memory_space<hbm>> -> memref<512xf32, #tpu.memory_space<hbm>>
      %dma_start3A_46 = arith.constant 4608 : i32
      %dma_start3A_47 = tpu.memref_slice %arg5[%dma_start3A_46] : memref<8192xf32, #tpu.memory_space<vmem>> -> memref<512xf32, #tpu.memory_space<vmem>>
      %dma_start3A_48 = tpu.memref_slice %arg2[%add3A_22] : memref<262144xf32, #tpu.memory_space<hbm>> -> memref<512xf32, #tpu.memory_space<hbm>>
      tpu.enqueue_dma source(%dma_start3A_48 : memref<512xf32, #tpu.memory_space<hbm>>) target(%dma_start3A_47 : memref<512xf32, #tpu.memory_space<vmem>>) target_semaphore(%run_scoped3A : memref<!tpu.dma_semaphore, #tpu.memory_space<semaphore_mem>>)
      %dma_wait3A = arith.constant 4608 : i32
      %dma_wait3A_49 = tpu.memref_slice %arg5[%dma_wait3A] : memref<8192xf32, #tpu.memory_space<vmem>> -> memref<512xf32, #tpu.memory_space<vmem>>
      %dma_wait3A_50 = tpu.memref_slice %arg2[%add3A_22] : memref<262144xf32, #tpu.memory_space<hbm>> -> memref<512xf32, #tpu.memory_space<hbm>>
      %dma_wait3A_51 = arith.constant 4608 : i32
      %dma_wait3A_52 = tpu.memref_slice %arg5[%dma_wait3A_51] : memref<8192xf32, #tpu.memory_space<vmem>> -> memref<512xf32, #tpu.memory_space<vmem>>
      %dma_wait3A_53 = tpu.memref_slice %arg2[%add3A_22] : memref<262144xf32, #tpu.memory_space<hbm>> -> memref<512xf32, #tpu.memory_space<hbm>>
      tpu.wait_dma2 semaphore(%run_scoped3A : memref<!tpu.dma_semaphore, #tpu.memory_space<semaphore_mem>>) src(%dma_wait3A_53 : memref<512xf32, #tpu.memory_space<hbm>>) dst(%dma_wait3A_52 : memref<512xf32, #tpu.memory_space<vmem>>)
      tpu.yield
    }) : () -> ()
    %add3A_23 = arith.constant 163840 : i32
    %add3A_24 = arith.addi %add3A_23, %mul3A_2 : i32
    "tpu.region"() ({
      %run_scoped3A = tpu.sem_alloc : memref<!tpu.dma_semaphore, #tpu.memory_space<semaphore_mem>>
      %dma_start3A = arith.constant 5120 : i32
      %dma_start3A_44 = tpu.memref_slice %arg5[%dma_start3A] : memref<8192xf32, #tpu.memory_space<vmem>> -> memref<512xf32, #tpu.memory_space<vmem>>
      %dma_start3A_45 = tpu.memref_slice %arg2[%add3A_24] : memref<262144xf32, #tpu.memory_space<hbm>> -> memref<512xf32, #tpu.memory_space<hbm>>
      %dma_start3A_46 = arith.constant 5120 : i32
      %dma_start3A_47 = tpu.memref_slice %arg5[%dma_start3A_46] : memref<8192xf32, #tpu.memory_space<vmem>> -> memref<512xf32, #tpu.memory_space<vmem>>
      %dma_start3A_48 = tpu.memref_slice %arg2[%add3A_24] : memref<262144xf32, #tpu.memory_space<hbm>> -> memref<512xf32, #tpu.memory_space<hbm>>
      tpu.enqueue_dma source(%dma_start3A_48 : memref<512xf32, #tpu.memory_space<hbm>>) target(%dma_start3A_47 : memref<512xf32, #tpu.memory_space<vmem>>) target_semaphore(%run_scoped3A : memref<!tpu.dma_semaphore, #tpu.memory_space<semaphore_mem>>)
      %dma_wait3A = arith.constant 5120 : i32
      %dma_wait3A_49 = tpu.memref_slice %arg5[%dma_wait3A] : memref<8192xf32, #tpu.memory_space<vmem>> -> memref<512xf32, #tpu.memory_space<vmem>>
      %dma_wait3A_50 = tpu.memref_slice %arg2[%add3A_24] : memref<262144xf32, #tpu.memory_space<hbm>> -> memref<512xf32, #tpu.memory_space<hbm>>
      %dma_wait3A_51 = arith.constant 5120 : i32
      %dma_wait3A_52 = tpu.memref_slice %arg5[%dma_wait3A_51] : memref<8192xf32, #tpu.memory_space<vmem>> -> memref<512xf32, #tpu.memory_space<vmem>>
      %dma_wait3A_53 = tpu.memref_slice %arg2[%add3A_24] : memref<262144xf32, #tpu.memory_space<hbm>> -> memref<512xf32, #tpu.memory_space<hbm>>
      tpu.wait_dma2 semaphore(%run_scoped3A : memref<!tpu.dma_semaphore, #tpu.memory_space<semaphore_mem>>) src(%dma_wait3A_53 : memref<512xf32, #tpu.memory_space<hbm>>) dst(%dma_wait3A_52 : memref<512xf32, #tpu.memory_space<vmem>>)
      tpu.yield
    }) : () -> ()
    %add3A_25 = arith.constant 180224 : i32
    %add3A_26 = arith.addi %add3A_25, %mul3A_2 : i32
    "tpu.region"() ({
      %run_scoped3A = tpu.sem_alloc : memref<!tpu.dma_semaphore, #tpu.memory_space<semaphore_mem>>
      %dma_start3A = arith.constant 5632 : i32
      %dma_start3A_44 = tpu.memref_slice %arg5[%dma_start3A] : memref<8192xf32, #tpu.memory_space<vmem>> -> memref<512xf32, #tpu.memory_space<vmem>>
      %dma_start3A_45 = tpu.memref_slice %arg2[%add3A_26] : memref<262144xf32, #tpu.memory_space<hbm>> -> memref<512xf32, #tpu.memory_space<hbm>>
      %dma_start3A_46 = arith.constant 5632 : i32
      %dma_start3A_47 = tpu.memref_slice %arg5[%dma_start3A_46] : memref<8192xf32, #tpu.memory_space<vmem>> -> memref<512xf32, #tpu.memory_space<vmem>>
      %dma_start3A_48 = tpu.memref_slice %arg2[%add3A_26] : memref<262144xf32, #tpu.memory_space<hbm>> -> memref<512xf32, #tpu.memory_space<hbm>>
      tpu.enqueue_dma source(%dma_start3A_48 : memref<512xf32, #tpu.memory_space<hbm>>) target(%dma_start3A_47 : memref<512xf32, #tpu.memory_space<vmem>>) target_semaphore(%run_scoped3A : memref<!tpu.dma_semaphore, #tpu.memory_space<semaphore_mem>>)
      %dma_wait3A = arith.constant 5632 : i32
      %dma_wait3A_49 = tpu.memref_slice %arg5[%dma_wait3A] : memref<8192xf32, #tpu.memory_space<vmem>> -> memref<512xf32, #tpu.memory_space<vmem>>
      %dma_wait3A_50 = tpu.memref_slice %arg2[%add3A_26] : memref<262144xf32, #tpu.memory_space<hbm>> -> memref<512xf32, #tpu.memory_space<hbm>>
      %dma_wait3A_51 = arith.constant 5632 : i32
      %dma_wait3A_52 = tpu.memref_slice %arg5[%dma_wait3A_51] : memref<8192xf32, #tpu.memory_space<vmem>> -> memref<512xf32, #tpu.memory_space<vmem>>
      %dma_wait3A_53 = tpu.memref_slice %arg2[%add3A_26] : memref<262144xf32, #tpu.memory_space<hbm>> -> memref<512xf32, #tpu.memory_space<hbm>>
      tpu.wait_dma2 semaphore(%run_scoped3A : memref<!tpu.dma_semaphore, #tpu.memory_space<semaphore_mem>>) src(%dma_wait3A_53 : memref<512xf32, #tpu.memory_space<hbm>>) dst(%dma_wait3A_52 : memref<512xf32, #tpu.memory_space<vmem>>)
      tpu.yield
    }) : () -> ()
    %add3A_27 = arith.constant 196608 : i32
    %add3A_28 = arith.addi %add3A_27, %mul3A_2 : i32
    "tpu.region"() ({
      %run_scoped3A = tpu.sem_alloc : memref<!tpu.dma_semaphore, #tpu.memory_space<semaphore_mem>>
      %dma_start3A = arith.constant 6144 : i32
      %dma_start3A_44 = tpu.memref_slice %arg5[%dma_start3A] : memref<8192xf32, #tpu.memory_space<vmem>> -> memref<512xf32, #tpu.memory_space<vmem>>
      %dma_start3A_45 = tpu.memref_slice %arg2[%add3A_28] : memref<262144xf32, #tpu.memory_space<hbm>> -> memref<512xf32, #tpu.memory_space<hbm>>
      %dma_start3A_46 = arith.constant 6144 : i32
      %dma_start3A_47 = tpu.memref_slice %arg5[%dma_start3A_46] : memref<8192xf32, #tpu.memory_space<vmem>> -> memref<512xf32, #tpu.memory_space<vmem>>
      %dma_start3A_48 = tpu.memref_slice %arg2[%add3A_28] : memref<262144xf32, #tpu.memory_space<hbm>> -> memref<512xf32, #tpu.memory_space<hbm>>
      tpu.enqueue_dma source(%dma_start3A_48 : memref<512xf32, #tpu.memory_space<hbm>>) target(%dma_start3A_47 : memref<512xf32, #tpu.memory_space<vmem>>) target_semaphore(%run_scoped3A : memref<!tpu.dma_semaphore, #tpu.memory_space<semaphore_mem>>)
      %dma_wait3A = arith.constant 6144 : i32
      %dma_wait3A_49 = tpu.memref_slice %arg5[%dma_wait3A] : memref<8192xf32, #tpu.memory_space<vmem>> -> memref<512xf32, #tpu.memory_space<vmem>>
      %dma_wait3A_50 = tpu.memref_slice %arg2[%add3A_28] : memref<262144xf32, #tpu.memory_space<hbm>> -> memref<512xf32, #tpu.memory_space<hbm>>
      %dma_wait3A_51 = arith.constant 6144 : i32
      %dma_wait3A_52 = tpu.memref_slice %arg5[%dma_wait3A_51] : memref<8192xf32, #tpu.memory_space<vmem>> -> memref<512xf32, #tpu.memory_space<vmem>>
      %dma_wait3A_53 = tpu.memref_slice %arg2[%add3A_28] : memref<262144xf32, #tpu.memory_space<hbm>> -> memref<512xf32, #tpu.memory_space<hbm>>
      tpu.wait_dma2 semaphore(%run_scoped3A : memref<!tpu.dma_semaphore, #tpu.memory_space<semaphore_mem>>) src(%dma_wait3A_53 : memref<512xf32, #tpu.memory_space<hbm>>) dst(%dma_wait3A_52 : memref<512xf32, #tpu.memory_space<vmem>>)
      tpu.yield
    }) : () -> ()
    %add3A_29 = arith.constant 212992 : i32
    %add3A_30 = arith.addi %add3A_29, %mul3A_2 : i32
    "tpu.region"() ({
      %run_scoped3A = tpu.sem_alloc : memref<!tpu.dma_semaphore, #tpu.memory_space<semaphore_mem>>
      %dma_start3A = arith.constant 6656 : i32
      %dma_start3A_44 = tpu.memref_slice %arg5[%dma_start3A] : memref<8192xf32, #tpu.memory_space<vmem>> -> memref<512xf32, #tpu.memory_space<vmem>>
      %dma_start3A_45 = tpu.memref_slice %arg2[%add3A_30] : memref<262144xf32, #tpu.memory_space<hbm>> -> memref<512xf32, #tpu.memory_space<hbm>>
      %dma_start3A_46 = arith.constant 6656 : i32
      %dma_start3A_47 = tpu.memref_slice %arg5[%dma_start3A_46] : memref<8192xf32, #tpu.memory_space<vmem>> -> memref<512xf32, #tpu.memory_space<vmem>>
      %dma_start3A_48 = tpu.memref_slice %arg2[%add3A_30] : memref<262144xf32, #tpu.memory_space<hbm>> -> memref<512xf32, #tpu.memory_space<hbm>>
      tpu.enqueue_dma source(%dma_start3A_48 : memref<512xf32, #tpu.memory_space<hbm>>) target(%dma_start3A_47 : memref<512xf32, #tpu.memory_space<vmem>>) target_semaphore(%run_scoped3A : memref<!tpu.dma_semaphore, #tpu.memory_space<semaphore_mem>>)
      %dma_wait3A = arith.constant 6656 : i32
      %dma_wait3A_49 = tpu.memref_slice %arg5[%dma_wait3A] : memref<8192xf32, #tpu.memory_space<vmem>> -> memref<512xf32, #tpu.memory_space<vmem>>
      %dma_wait3A_50 = tpu.memref_slice %arg2[%add3A_30] : memref<262144xf32, #tpu.memory_space<hbm>> -> memref<512xf32, #tpu.memory_space<hbm>>
      %dma_wait3A_51 = arith.constant 6656 : i32
      %dma_wait3A_52 = tpu.memref_slice %arg5[%dma_wait3A_51] : memref<8192xf32, #tpu.memory_space<vmem>> -> memref<512xf32, #tpu.memory_space<vmem>>
      %dma_wait3A_53 = tpu.memref_slice %arg2[%add3A_30] : memref<262144xf32, #tpu.memory_space<hbm>> -> memref<512xf32, #tpu.memory_space<hbm>>
      tpu.wait_dma2 semaphore(%run_scoped3A : memref<!tpu.dma_semaphore, #tpu.memory_space<semaphore_mem>>) src(%dma_wait3A_53 : memref<512xf32, #tpu.memory_space<hbm>>) dst(%dma_wait3A_52 : memref<512xf32, #tpu.memory_space<vmem>>)
      tpu.yield
    }) : () -> ()
    %add3A_31 = arith.constant 229376 : i32
    %add3A_32 = arith.addi %add3A_31, %mul3A_2 : i32
    "tpu.region"() ({
      %run_scoped3A = tpu.sem_alloc : memref<!tpu.dma_semaphore, #tpu.memory_space<semaphore_mem>>
      %dma_start3A = arith.constant 7168 : i32
      %dma_start3A_44 = tpu.memref_slice %arg5[%dma_start3A] : memref<8192xf32, #tpu.memory_space<vmem>> -> memref<512xf32, #tpu.memory_space<vmem>>
      %dma_start3A_45 = tpu.memref_slice %arg2[%add3A_32] : memref<262144xf32, #tpu.memory_space<hbm>> -> memref<512xf32, #tpu.memory_space<hbm>>
      %dma_start3A_46 = arith.constant 7168 : i32
      %dma_start3A_47 = tpu.memref_slice %arg5[%dma_start3A_46] : memref<8192xf32, #tpu.memory_space<vmem>> -> memref<512xf32, #tpu.memory_space<vmem>>
      %dma_start3A_48 = tpu.memref_slice %arg2[%add3A_32] : memref<262144xf32, #tpu.memory_space<hbm>> -> memref<512xf32, #tpu.memory_space<hbm>>
      tpu.enqueue_dma source(%dma_start3A_48 : memref<512xf32, #tpu.memory_space<hbm>>) target(%dma_start3A_47 : memref<512xf32, #tpu.memory_space<vmem>>) target_semaphore(%run_scoped3A : memref<!tpu.dma_semaphore, #tpu.memory_space<semaphore_mem>>)
      %dma_wait3A = arith.constant 7168 : i32
      %dma_wait3A_49 = tpu.memref_slice %arg5[%dma_wait3A] : memref<8192xf32, #tpu.memory_space<vmem>> -> memref<512xf32, #tpu.memory_space<vmem>>
      %dma_wait3A_50 = tpu.memref_slice %arg2[%add3A_32] : memref<262144xf32, #tpu.memory_space<hbm>> -> memref<512xf32, #tpu.memory_space<hbm>>
      %dma_wait3A_51 = arith.constant 7168 : i32
      %dma_wait3A_52 = tpu.memref_slice %arg5[%dma_wait3A_51] : memref<8192xf32, #tpu.memory_space<vmem>> -> memref<512xf32, #tpu.memory_space<vmem>>
      %dma_wait3A_53 = tpu.memref_slice %arg2[%add3A_32] : memref<262144xf32, #tpu.memory_space<hbm>> -> memref<512xf32, #tpu.memory_space<hbm>>
      tpu.wait_dma2 semaphore(%run_scoped3A : memref<!tpu.dma_semaphore, #tpu.memory_space<semaphore_mem>>) src(%dma_wait3A_53 : memref<512xf32, #tpu.memory_space<hbm>>) dst(%dma_wait3A_52 : memref<512xf32, #tpu.memory_space<vmem>>)
      tpu.yield
    }) : () -> ()
    %add3A_33 = arith.constant 245760 : i32
    %add3A_34 = arith.addi %add3A_33, %mul3A_2 : i32
    "tpu.region"() ({
      %run_scoped3A = tpu.sem_alloc : memref<!tpu.dma_semaphore, #tpu.memory_space<semaphore_mem>>
      %dma_start3A = arith.constant 7680 : i32
      %dma_start3A_44 = tpu.memref_slice %arg5[%dma_start3A] : memref<8192xf32, #tpu.memory_space<vmem>> -> memref<512xf32, #tpu.memory_space<vmem>>
      %dma_start3A_45 = tpu.memref_slice %arg2[%add3A_34] : memref<262144xf32, #tpu.memory_space<hbm>> -> memref<512xf32, #tpu.memory_space<hbm>>
      %dma_start3A_46 = arith.constant 7680 : i32
      %dma_start3A_47 = tpu.memref_slice %arg5[%dma_start3A_46] : memref<8192xf32, #tpu.memory_space<vmem>> -> memref<512xf32, #tpu.memory_space<vmem>>
      %dma_start3A_48 = tpu.memref_slice %arg2[%add3A_34] : memref<262144xf32, #tpu.memory_space<hbm>> -> memref<512xf32, #tpu.memory_space<hbm>>
      tpu.enqueue_dma source(%dma_start3A_48 : memref<512xf32, #tpu.memory_space<hbm>>) target(%dma_start3A_47 : memref<512xf32, #tpu.memory_space<vmem>>) target_semaphore(%run_scoped3A : memref<!tpu.dma_semaphore, #tpu.memory_space<semaphore_mem>>)
      %dma_wait3A = arith.constant 7680 : i32
      %dma_wait3A_49 = tpu.memref_slice %arg5[%dma_wait3A] : memref<8192xf32, #tpu.memory_space<vmem>> -> memref<512xf32, #tpu.memory_space<vmem>>
      %dma_wait3A_50 = tpu.memref_slice %arg2[%add3A_34] : memref<262144xf32, #tpu.memory_space<hbm>> -> memref<512xf32, #tpu.memory_space<hbm>>
      %dma_wait3A_51 = arith.constant 7680 : i32
      %dma_wait3A_52 = tpu.memref_slice %arg5[%dma_wait3A_51] : memref<8192xf32, #tpu.memory_space<vmem>> -> memref<512xf32, #tpu.memory_space<vmem>>
      %dma_wait3A_53 = tpu.memref_slice %arg2[%add3A_34] : memref<262144xf32, #tpu.memory_space<hbm>> -> memref<512xf32, #tpu.memory_space<hbm>>
      tpu.wait_dma2 semaphore(%run_scoped3A : memref<!tpu.dma_semaphore, #tpu.memory_space<semaphore_mem>>) src(%dma_wait3A_53 : memref<512xf32, #tpu.memory_space<hbm>>) dst(%dma_wait3A_52 : memref<512xf32, #tpu.memory_space<vmem>>)
      tpu.yield
    }) : () -> ()
    %scan3A = arith.constant 0 : i32
    %scan3A_35 = arith.constant 0 : i32
    %scan3A_36 = arith.constant 32 : i32
    %scan3A_37 = arith.addi %scan3A_35, %scan3A_36 : i32
    %scan3A_38 = arith.constant 1 : i32
    scf.for %scan3A_44 = %scan3A_35 to %scan3A_37 step %scan3A_38  : i32 {
      %mul3A_45 = arith.constant 16 : i32
      %mul3A_46 = arith.muli %scan3A_44, %mul3A_45 : i32
      %iota3A = tpu.iota {dimensions = array<i32: 0>} : vector<16xi32>
      %add3A_47 = vector.broadcast %mul3A_46 : i32 to vector<16xi32>
      %add3A_48 = arith.addi %add3A_47, %iota3A : vector<16xi32>
      %mul3A_49 = arith.constant 16 : i32
      %mul3A_50 = arith.muli %scan3A_44, %mul3A_49 : i32
      %get3A = arith.index_cast %mul3A_50 : i32 to index
      %get3A_51 = tpu.vector_load %arg5[%get3A] {strides = array<i32>} : memref<8192xf32, #tpu.memory_space<vmem>>, vector<16xf32>,
      %broadcast_in_dim3A = arith.constant 0 : i32
      %broadcast_in_dim3A_52 = vector.broadcast %broadcast_in_dim3A : i32 to vector<16xi32>
      %broadcast_in_dim3A_53 = arith.constant 0xFF800000 : f32
      %broadcast_in_dim3A_54 = vector.broadcast %broadcast_in_dim3A_53 : f32 to vector<16xf32>
      %broadcast_in_dim3A_55 = arith.constant 0 : i32
      %broadcast_in_dim3A_56 = vector.broadcast %broadcast_in_dim3A_55 : i32 to vector<16xi32>
      %mul3A_57 = arith.constant 16 : i32
      %mul3A_58 = arith.muli %scan3A_44, %mul3A_57 : i32
      %add3A_59 = arith.constant 512 : i32
      %add3A_60 = arith.addi %add3A_59, %mul3A_58 : i32
      %get3A_61 = arith.index_cast %add3A_60 : i32 to index
      %get3A_62 = tpu.vector_load %arg5[%get3A_61] {strides = array<i32>} : memref<8192xf32, #tpu.memory_space<vmem>>, vector<16xf32>,
      %broadcast_in_dim3A_63 = arith.constant 1 : i32
      %broadcast_in_dim3A_64 = vector.broadcast %broadcast_in_dim3A_63 : i32 to vector<16xi32>
      %gt3A = arith.cmpf ogt, %get3A_62, %get3A_51 : vector<16xf32>
      %gt3A_65 = arith.cmpf ogt, %get3A_62, %broadcast_in_dim3A_54 : vector<16xf32>
      %select_n3A = arith.select %gt3A_65, %get3A_62, %broadcast_in_dim3A_54 : vector<16xi1>, vector<16xf32>
      %select_n3A_66 = arith.select %gt3A, %get3A_51, %select_n3A : vector<16xi1>, vector<16xf32>
      %select_n3A_67 = arith.select %gt3A_65, %broadcast_in_dim3A_64, %broadcast_in_dim3A_56 : vector<16xi1>, vector<16xi32>
      %select_n3A_68 = arith.select %gt3A, %broadcast_in_dim3A_52, %select_n3A_67 : vector<16xi1>, vector<16xi32>
      %select_n3A_69 = arith.select %gt3A, %get3A_62, %get3A_51 : vector<16xi1>, vector<16xf32>
      %select_n3A_70 = arith.select %gt3A, %broadcast_in_dim3A_64, %broadcast_in_dim3A_52 : vector<16xi1>, vector<16xi32>
      %mul3A_71 = arith.constant 16 : i32
      %mul3A_72 = arith.muli %scan3A_44, %mul3A_71 : i32
      %add3A_73 = arith.constant 1024 : i32
      %add3A_74 = arith.addi %add3A_73, %mul3A_72 : i32
      %get3A_75 = arith.index_cast %add3A_74 : i32 to index
      %get3A_76 = tpu.vector_load %arg5[%get3A_75] {strides = array<i32>} : memref<8192xf32, #tpu.memory_space<vmem>>, vector<16xf32>,
      %broadcast_in_dim3A_77 = arith.constant 2 : i32
      %broadcast_in_dim3A_78 = vector.broadcast %broadcast_in_dim3A_77 : i32 to vector<16xi32>
      %gt3A_79 = arith.cmpf ogt, %get3A_76, %select_n3A_69 : vector<16xf32>
      %gt3A_80 = arith.cmpf ogt, %get3A_76, %select_n3A_66 : vector<16xf32>
      %select_n3A_81 = arith.select %gt3A_80, %get3A_76, %select_n3A_66 : vector<16xi1>, vector<16xf32>
      %select_n3A_82 = arith.select %gt3A_79, %select_n3A_69, %select_n3A_81 : vector<16xi1>, vector<16xf32>
      %select_n3A_83 = arith.select %gt3A_80, %broadcast_in_dim3A_78, %select_n3A_68 : vector<16xi1>, vector<16xi32>
      %select_n3A_84 = arith.select %gt3A_79, %select_n3A_70, %select_n3A_83 : vector<16xi1>, vector<16xi32>
      %select_n3A_85 = arith.select %gt3A_79, %get3A_76, %select_n3A_69 : vector<16xi1>, vector<16xf32>
      %select_n3A_86 = arith.select %gt3A_79, %broadcast_in_dim3A_78, %select_n3A_70 : vector<16xi1>, vector<16xi32>
      %mul3A_87 = arith.constant 16 : i32
      %mul3A_88 = arith.muli %scan3A_44, %mul3A_87 : i32
      %add3A_89 = arith.constant 1536 : i32
      %add3A_90 = arith.addi %add3A_89, %mul3A_88 : i32
      %get3A_91 = arith.index_cast %add3A_90 : i32 to index
      %get3A_92 = tpu.vector_load %arg5[%get3A_91] {strides = array<i32>} : memref<8192xf32, #tpu.memory_space<vmem>>, vector<16xf32>,
      %broadcast_in_dim3A_93 = arith.constant 3 : i32
      %broadcast_in_dim3A_94 = vector.broadcast %broadcast_in_dim3A_93 : i32 to vector<16xi32>
      %gt3A_95 = arith.cmpf ogt, %get3A_92, %select_n3A_85 : vector<16xf32>
      %gt3A_96 = arith.cmpf ogt, %get3A_92, %select_n3A_82 : vector<16xf32>
      %select_n3A_97 = arith.select %gt3A_96, %get3A_92, %select_n3A_82 : vector<16xi1>, vector<16xf32>
      %select_n3A_98 = arith.select %gt3A_95, %select_n3A_85, %select_n3A_97 : vector<16xi1>, vector<16xf32>
      %select_n3A_99 = arith.select %gt3A_96, %broadcast_in_dim3A_94, %select_n3A_84 : vector<16xi1>, vector<16xi32>
      %select_n3A_100 = arith.select %gt3A_95, %select_n3A_86, %select_n3A_99 : vector<16xi1>, vector<16xi32>
      %select_n3A_101 = arith.select %gt3A_95, %get3A_92, %select_n3A_85 : vector<16xi1>, vector<16xf32>
      %select_n3A_102 = arith.select %gt3A_95, %broadcast_in_dim3A_94, %select_n3A_86 : vector<16xi1>, vector<16xi32>
      %mul3A_103 = arith.constant 16 : i32
      %mul3A_104 = arith.muli %scan3A_44, %mul3A_103 : i32
      %add3A_105 = arith.constant 2048 : i32
      %add3A_106 = arith.addi %add3A_105, %mul3A_104 : i32
      %get3A_107 = arith.index_cast %add3A_106 : i32 to index
      %get3A_108 = tpu.vector_load %arg5[%get3A_107] {strides = array<i32>} : memref<8192xf32, #tpu.memory_space<vmem>>, vector<16xf32>,
      %broadcast_in_dim3A_109 = arith.constant 4 : i32
      %broadcast_in_dim3A_110 = vector.broadcast %broadcast_in_dim3A_109 : i32 to vector<16xi32>
      %gt3A_111 = arith.cmpf ogt, %get3A_108, %select_n3A_101 : vector<16xf32>
      %gt3A_112 = arith.cmpf ogt, %get3A_108, %select_n3A_98 : vector<16xf32>
      %select_n3A_113 = arith.select %gt3A_112, %get3A_108, %select_n3A_98 : vector<16xi1>, vector<16xf32>
      %select_n3A_114 = arith.select %gt3A_111, %select_n3A_101, %select_n3A_113 : vector<16xi1>, vector<16xf32>
      %select_n3A_115 = arith.select %gt3A_112, %broadcast_in_dim3A_110, %select_n3A_100 : vector<16xi1>, vector<16xi32>
      %select_n3A_116 = arith.select %gt3A_111, %select_n3A_102, %select_n3A_115 : vector<16xi1>, vector<16xi32>
      %select_n3A_117 = arith.select %gt3A_111, %get3A_108, %select_n3A_101 : vector<16xi1>, vector<16xf32>
      %select_n3A_118 = arith.select %gt3A_111, %broadcast_in_dim3A_110, %select_n3A_102 : vector<16xi1>, vector<16xi32>
      %mul3A_119 = arith.constant 16 : i32
      %mul3A_120 = arith.muli %scan3A_44, %mul3A_119 : i32
      %add3A_121 = arith.constant 2560 : i32
      %add3A_122 = arith.addi %add3A_121, %mul3A_120 : i32
      %get3A_123 = arith.index_cast %add3A_122 : i32 to index
      %get3A_124 = tpu.vector_load %arg5[%get3A_123] {strides = array<i32>} : memref<8192xf32, #tpu.memory_space<vmem>>, vector<16xf32>,
      %broadcast_in_dim3A_125 = arith.constant 5 : i32
      %broadcast_in_dim3A_126 = vector.broadcast %broadcast_in_dim3A_125 : i32 to vector<16xi32>
      %gt3A_127 = arith.cmpf ogt, %get3A_124, %select_n3A_117 : vector<16xf32>
      %gt3A_128 = arith.cmpf ogt, %get3A_124, %select_n3A_114 : vector<16xf32>
      %select_n3A_129 = arith.select %gt3A_128, %get3A_124, %select_n3A_114 : vector<16xi1>, vector<16xf32>
      %select_n3A_130 = arith.select %gt3A_127, %select_n3A_117, %select_n3A_129 : vector<16xi1>, vector<16xf32>
      %select_n3A_131 = arith.select %gt3A_128, %broadcast_in_dim3A_126, %select_n3A_116 : vector<16xi1>, vector<16xi32>
      %select_n3A_132 = arith.select %gt3A_127, %select_n3A_118, %select_n3A_131 : vector<16xi1>, vector<16xi32>
      %select_n3A_133 = arith.select %gt3A_127, %get3A_124, %select_n3A_117 : vector<16xi1>, vector<16xf32>
      %select_n3A_134 = arith.select %gt3A_127, %broadcast_in_dim3A_126, %select_n3A_118 : vector<16xi1>, vector<16xi32>
      %mul3A_135 = arith.constant 16 : i32
      %mul3A_136 = arith.muli %scan3A_44, %mul3A_135 : i32
      %add3A_137 = arith.constant 3072 : i32
      %add3A_138 = arith.addi %add3A_137, %mul3A_136 : i32
      %get3A_139 = arith.index_cast %add3A_138 : i32 to index
      %get3A_140 = tpu.vector_load %arg5[%get3A_139] {strides = array<i32>} : memref<8192xf32, #tpu.memory_space<vmem>>, vector<16xf32>,
      %broadcast_in_dim3A_141 = arith.constant 6 : i32
      %broadcast_in_dim3A_142 = vector.broadcast %broadcast_in_dim3A_141 : i32 to vector<16xi32>
      %gt3A_143 = arith.cmpf ogt, %get3A_140, %select_n3A_133 : vector<16xf32>
      %gt3A_144 = arith.cmpf ogt, %get3A_140, %select_n3A_130 : vector<16xf32>
      %select_n3A_145 = arith.select %gt3A_144, %get3A_140, %select_n3A_130 : vector<16xi1>, vector<16xf32>
      %select_n3A_146 = arith.select %gt3A_143, %select_n3A_133, %select_n3A_145 : vector<16xi1>, vector<16xf32>
      %select_n3A_147 = arith.select %gt3A_144, %broadcast_in_dim3A_142, %select_n3A_132 : vector<16xi1>, vector<16xi32>
      %select_n3A_148 = arith.select %gt3A_143, %select_n3A_134, %select_n3A_147 : vector<16xi1>, vector<16xi32>
      %select_n3A_149 = arith.select %gt3A_143, %get3A_140, %select_n3A_133 : vector<16xi1>, vector<16xf32>
      %select_n3A_150 = arith.select %gt3A_143, %broadcast_in_dim3A_142, %select_n3A_134 : vector<16xi1>, vector<16xi32>
      %mul3A_151 = arith.constant 16 : i32
      %mul3A_152 = arith.muli %scan3A_44, %mul3A_151 : i32
      %add3A_153 = arith.constant 3584 : i32
      %add3A_154 = arith.addi %add3A_153, %mul3A_152 : i32
      %get3A_155 = arith.index_cast %add3A_154 : i32 to index
      %get3A_156 = tpu.vector_load %arg5[%get3A_155] {strides = array<i32>} : memref<8192xf32, #tpu.memory_space<vmem>>, vector<16xf32>,
      %broadcast_in_dim3A_157 = arith.constant 7 : i32
      %broadcast_in_dim3A_158 = vector.broadcast %broadcast_in_dim3A_157 : i32 to vector<16xi32>
      %gt3A_159 = arith.cmpf ogt, %get3A_156, %select_n3A_149 : vector<16xf32>
      %gt3A_160 = arith.cmpf ogt, %get3A_156, %select_n3A_146 : vector<16xf32>
      %select_n3A_161 = arith.select %gt3A_160, %get3A_156, %select_n3A_146 : vector<16xi1>, vector<16xf32>
      %select_n3A_162 = arith.select %gt3A_159, %select_n3A_149, %select_n3A_161 : vector<16xi1>, vector<16xf32>
      %select_n3A_163 = arith.select %gt3A_160, %broadcast_in_dim3A_158, %select_n3A_148 : vector<16xi1>, vector<16xi32>
      %select_n3A_164 = arith.select %gt3A_159, %select_n3A_150, %select_n3A_163 : vector<16xi1>, vector<16xi32>
      %select_n3A_165 = arith.select %gt3A_159, %get3A_156, %select_n3A_149 : vector<16xi1>, vector<16xf32>
      %select_n3A_166 = arith.select %gt3A_159, %broadcast_in_dim3A_158, %select_n3A_150 : vector<16xi1>, vector<16xi32>
      %mul3A_167 = arith.constant 16 : i32
      %mul3A_168 = arith.muli %scan3A_44, %mul3A_167 : i32
      %add3A_169 = arith.constant 4096 : i32
      %add3A_170 = arith.addi %add3A_169, %mul3A_168 : i32
      %get3A_171 = arith.index_cast %add3A_170 : i32 to index
      %get3A_172 = tpu.vector_load %arg5[%get3A_171] {strides = array<i32>} : memref<8192xf32, #tpu.memory_space<vmem>>, vector<16xf32>,
      %broadcast_in_dim3A_173 = arith.constant 8 : i32
      %broadcast_in_dim3A_174 = vector.broadcast %broadcast_in_dim3A_173 : i32 to vector<16xi32>
      %gt3A_175 = arith.cmpf ogt, %get3A_172, %select_n3A_165 : vector<16xf32>
      %gt3A_176 = arith.cmpf ogt, %get3A_172, %select_n3A_162 : vector<16xf32>
      %select_n3A_177 = arith.select %gt3A_176, %get3A_172, %select_n3A_162 : vector<16xi1>, vector<16xf32>
      %select_n3A_178 = arith.select %gt3A_175, %select_n3A_165, %select_n3A_177 : vector<16xi1>, vector<16xf32>
      %select_n3A_179 = arith.select %gt3A_176, %broadcast_in_dim3A_174, %select_n3A_164 : vector<16xi1>, vector<16xi32>
      %select_n3A_180 = arith.select %gt3A_175, %select_n3A_166, %select_n3A_179 : vector<16xi1>, vector<16xi32>
      %select_n3A_181 = arith.select %gt3A_175, %get3A_172, %select_n3A_165 : vector<16xi1>, vector<16xf32>
      %select_n3A_182 = arith.select %gt3A_175, %broadcast_in_dim3A_174, %select_n3A_166 : vector<16xi1>, vector<16xi32>
      %mul3A_183 = arith.constant 16 : i32
      %mul3A_184 = arith.muli %scan3A_44, %mul3A_183 : i32
      %add3A_185 = arith.constant 4608 : i32
      %add3A_186 = arith.addi %add3A_185, %mul3A_184 : i32
      %get3A_187 = arith.index_cast %add3A_186 : i32 to index
      %get3A_188 = tpu.vector_load %arg5[%get3A_187] {strides = array<i32>} : memref<8192xf32, #tpu.memory_space<vmem>>, vector<16xf32>,
      %broadcast_in_dim3A_189 = arith.constant 9 : i32
      %broadcast_in_dim3A_190 = vector.broadcast %broadcast_in_dim3A_189 : i32 to vector<16xi32>
      %gt3A_191 = arith.cmpf ogt, %get3A_188, %select_n3A_181 : vector<16xf32>
      %gt3A_192 = arith.cmpf ogt, %get3A_188, %select_n3A_178 : vector<16xf32>
      %select_n3A_193 = arith.select %gt3A_192, %get3A_188, %select_n3A_178 : vector<16xi1>, vector<16xf32>
      %select_n3A_194 = arith.select %gt3A_191, %select_n3A_181, %select_n3A_193 : vector<16xi1>, vector<16xf32>
      %select_n3A_195 = arith.select %gt3A_192, %broadcast_in_dim3A_190, %select_n3A_180 : vector<16xi1>, vector<16xi32>
      %select_n3A_196 = arith.select %gt3A_191, %select_n3A_182, %select_n3A_195 : vector<16xi1>, vector<16xi32>
      %select_n3A_197 = arith.select %gt3A_191, %get3A_188, %select_n3A_181 : vector<16xi1>, vector<16xf32>
      %select_n3A_198 = arith.select %gt3A_191, %broadcast_in_dim3A_190, %select_n3A_182 : vector<16xi1>, vector<16xi32>
      %mul3A_199 = arith.constant 16 : i32
      %mul3A_200 = arith.muli %scan3A_44, %mul3A_199 : i32
      %add3A_201 = arith.constant 5120 : i32
      %add3A_202 = arith.addi %add3A_201, %mul3A_200 : i32
      %get3A_203 = arith.index_cast %add3A_202 : i32 to index
      %get3A_204 = tpu.vector_load %arg5[%get3A_203] {strides = array<i32>} : memref<8192xf32, #tpu.memory_space<vmem>>, vector<16xf32>,
      %broadcast_in_dim3A_205 = arith.constant 10 : i32
      %broadcast_in_dim3A_206 = vector.broadcast %broadcast_in_dim3A_205 : i32 to vector<16xi32>
      %gt3A_207 = arith.cmpf ogt, %get3A_204, %select_n3A_197 : vector<16xf32>
      %gt3A_208 = arith.cmpf ogt, %get3A_204, %select_n3A_194 : vector<16xf32>
      %select_n3A_209 = arith.select %gt3A_208, %get3A_204, %select_n3A_194 : vector<16xi1>, vector<16xf32>
      %select_n3A_210 = arith.select %gt3A_207, %select_n3A_197, %select_n3A_209 : vector<16xi1>, vector<16xf32>
      %select_n3A_211 = arith.select %gt3A_208, %broadcast_in_dim3A_206, %select_n3A_196 : vector<16xi1>, vector<16xi32>
      %select_n3A_212 = arith.select %gt3A_207, %select_n3A_198, %select_n3A_211 : vector<16xi1>, vector<16xi32>
      %select_n3A_213 = arith.select %gt3A_207, %get3A_204, %select_n3A_197 : vector<16xi1>, vector<16xf32>
      %select_n3A_214 = arith.select %gt3A_207, %broadcast_in_dim3A_206, %select_n3A_198 : vector<16xi1>, vector<16xi32>
      %mul3A_215 = arith.constant 16 : i32
      %mul3A_216 = arith.muli %scan3A_44, %mul3A_215 : i32
      %add3A_217 = arith.constant 5632 : i32
      %add3A_218 = arith.addi %add3A_217, %mul3A_216 : i32
      %get3A_219 = arith.index_cast %add3A_218 : i32 to index
      %get3A_220 = tpu.vector_load %arg5[%get3A_219] {strides = array<i32>} : memref<8192xf32, #tpu.memory_space<vmem>>, vector<16xf32>,
      %broadcast_in_dim3A_221 = arith.constant 11 : i32
      %broadcast_in_dim3A_222 = vector.broadcast %broadcast_in_dim3A_221 : i32 to vector<16xi32>
      %gt3A_223 = arith.cmpf ogt, %get3A_220, %select_n3A_213 : vector<16xf32>
      %gt3A_224 = arith.cmpf ogt, %get3A_220, %select_n3A_210 : vector<16xf32>
      %select_n3A_225 = arith.select %gt3A_224, %get3A_220, %select_n3A_210 : vector<16xi1>, vector<16xf32>
      %select_n3A_226 = arith.select %gt3A_223, %select_n3A_213, %select_n3A_225 : vector<16xi1>, vector<16xf32>
      %select_n3A_227 = arith.select %gt3A_224, %broadcast_in_dim3A_222, %select_n3A_212 : vector<16xi1>, vector<16xi32>
      %select_n3A_228 = arith.select %gt3A_223, %select_n3A_214, %select_n3A_227 : vector<16xi1>, vector<16xi32>
      %select_n3A_229 = arith.select %gt3A_223, %get3A_220, %select_n3A_213 : vector<16xi1>, vector<16xf32>
      %select_n3A_230 = arith.select %gt3A_223, %broadcast_in_dim3A_222, %select_n3A_214 : vector<16xi1>, vector<16xi32>
      %mul3A_231 = arith.constant 16 : i32
      %mul3A_232 = arith.muli %scan3A_44, %mul3A_231 : i32
      %add3A_233 = arith.constant 6144 : i32
      %add3A_234 = arith.addi %add3A_233, %mul3A_232 : i32
      %get3A_235 = arith.index_cast %add3A_234 : i32 to index
      %get3A_236 = tpu.vector_load %arg5[%get3A_235] {strides = array<i32>} : memref<8192xf32, #tpu.memory_space<vmem>>, vector<16xf32>,
      %broadcast_in_dim3A_237 = arith.constant 12 : i32
      %broadcast_in_dim3A_238 = vector.broadcast %broadcast_in_dim3A_237 : i32 to vector<16xi32>
      %gt3A_239 = arith.cmpf ogt, %get3A_236, %select_n3A_229 : vector<16xf32>
      %gt3A_240 = arith.cmpf ogt, %get3A_236, %select_n3A_226 : vector<16xf32>
      %select_n3A_241 = arith.select %gt3A_240, %get3A_236, %select_n3A_226 : vector<16xi1>, vector<16xf32>
      %select_n3A_242 = arith.select %gt3A_239, %select_n3A_229, %select_n3A_241 : vector<16xi1>, vector<16xf32>
      %select_n3A_243 = arith.select %gt3A_240, %broadcast_in_dim3A_238, %select_n3A_228 : vector<16xi1>, vector<16xi32>
      %select_n3A_244 = arith.select %gt3A_239, %select_n3A_230, %select_n3A_243 : vector<16xi1>, vector<16xi32>
      %select_n3A_245 = arith.select %gt3A_239, %get3A_236, %select_n3A_229 : vector<16xi1>, vector<16xf32>
      %select_n3A_246 = arith.select %gt3A_239, %broadcast_in_dim3A_238, %select_n3A_230 : vector<16xi1>, vector<16xi32>
      %mul3A_247 = arith.constant 16 : i32
      %mul3A_248 = arith.muli %scan3A_44, %mul3A_247 : i32
      %add3A_249 = arith.constant 6656 : i32
      %add3A_250 = arith.addi %add3A_249, %mul3A_248 : i32
      %get3A_251 = arith.index_cast %add3A_250 : i32 to index
      %get3A_252 = tpu.vector_load %arg5[%get3A_251] {strides = array<i32>} : memref<8192xf32, #tpu.memory_space<vmem>>, vector<16xf32>,
      %broadcast_in_dim3A_253 = arith.constant 13 : i32
      %broadcast_in_dim3A_254 = vector.broadcast %broadcast_in_dim3A_253 : i32 to vector<16xi32>
      %gt3A_255 = arith.cmpf ogt, %get3A_252, %select_n3A_245 : vector<16xf32>
      %gt3A_256 = arith.cmpf ogt, %get3A_252, %select_n3A_242 : vector<16xf32>
      %select_n3A_257 = arith.select %gt3A_256, %get3A_252, %select_n3A_242 : vector<16xi1>, vector<16xf32>
      %select_n3A_258 = arith.select %gt3A_255, %select_n3A_245, %select_n3A_257 : vector<16xi1>, vector<16xf32>
      %select_n3A_259 = arith.select %gt3A_256, %broadcast_in_dim3A_254, %select_n3A_244 : vector<16xi1>, vector<16xi32>
      %select_n3A_260 = arith.select %gt3A_255, %select_n3A_246, %select_n3A_259 : vector<16xi1>, vector<16xi32>
      %select_n3A_261 = arith.select %gt3A_255, %get3A_252, %select_n3A_245 : vector<16xi1>, vector<16xf32>
      %select_n3A_262 = arith.select %gt3A_255, %broadcast_in_dim3A_254, %select_n3A_246 : vector<16xi1>, vector<16xi32>
      %mul3A_263 = arith.constant 16 : i32
      %mul3A_264 = arith.muli %scan3A_44, %mul3A_263 : i32
      %add3A_265 = arith.constant 7168 : i32
      %add3A_266 = arith.addi %add3A_265, %mul3A_264 : i32
      %get3A_267 = arith.index_cast %add3A_266 : i32 to index
      %get3A_268 = tpu.vector_load %arg5[%get3A_267] {strides = array<i32>} : memref<8192xf32, #tpu.memory_space<vmem>>, vector<16xf32>,
      %broadcast_in_dim3A_269 = arith.constant 14 : i32
      %broadcast_in_dim3A_270 = vector.broadcast %broadcast_in_dim3A_269 : i32 to vector<16xi32>
      %gt3A_271 = arith.cmpf ogt, %get3A_268, %select_n3A_261 : vector<16xf32>
      %gt3A_272 = arith.cmpf ogt, %get3A_268, %select_n3A_258 : vector<16xf32>
      %select_n3A_273 = arith.select %gt3A_272, %get3A_268, %select_n3A_258 : vector<16xi1>, vector<16xf32>
      %select_n3A_274 = arith.select %gt3A_271, %select_n3A_261, %select_n3A_273 : vector<16xi1>, vector<16xf32>
      %select_n3A_275 = arith.select %gt3A_272, %broadcast_in_dim3A_270, %select_n3A_260 : vector<16xi1>, vector<16xi32>
      %select_n3A_276 = arith.select %gt3A_271, %select_n3A_262, %select_n3A_275 : vector<16xi1>, vector<16xi32>
      %select_n3A_277 = arith.select %gt3A_271, %get3A_268, %select_n3A_261 : vector<16xi1>, vector<16xf32>
      %select_n3A_278 = arith.select %gt3A_271, %broadcast_in_dim3A_270, %select_n3A_262 : vector<16xi1>, vector<16xi32>
      %mul3A_279 = arith.constant 16 : i32
      %mul3A_280 = arith.muli %scan3A_44, %mul3A_279 : i32
      %add3A_281 = arith.constant 7680 : i32
      %add3A_282 = arith.addi %add3A_281, %mul3A_280 : i32
      %get3A_283 = arith.index_cast %add3A_282 : i32 to index
      %get3A_284 = tpu.vector_load %arg5[%get3A_283] {strides = array<i32>} : memref<8192xf32, #tpu.memory_space<vmem>>, vector<16xf32>,
      %broadcast_in_dim3A_285 = arith.constant 15 : i32
      %broadcast_in_dim3A_286 = vector.broadcast %broadcast_in_dim3A_285 : i32 to vector<16xi32>
      %gt3A_287 = arith.cmpf ogt, %get3A_284, %select_n3A_277 : vector<16xf32>
      %gt3A_288 = arith.cmpf ogt, %get3A_284, %select_n3A_274 : vector<16xf32>
      %select_n3A_289 = arith.select %gt3A_288, %get3A_284, %select_n3A_274 : vector<16xi1>, vector<16xf32>
      %select_n3A_290 = arith.select %gt3A_287, %select_n3A_277, %select_n3A_289 : vector<16xi1>, vector<16xf32>
      %select_n3A_291 = arith.select %gt3A_288, %broadcast_in_dim3A_286, %select_n3A_276 : vector<16xi1>, vector<16xi32>
      %select_n3A_292 = arith.select %gt3A_287, %select_n3A_278, %select_n3A_291 : vector<16xi1>, vector<16xi32>
      %select_n3A_293 = arith.select %gt3A_287, %get3A_284, %select_n3A_277 : vector<16xi1>, vector<16xf32>
      %select_n3A_294 = arith.select %gt3A_287, %broadcast_in_dim3A_286, %select_n3A_278 : vector<16xi1>, vector<16xi32>
      %sub3A = arith.subf %select_n3A_290, %select_n3A_293 : vector<16xf32>
      %exp3A = math.exp %sub3A : vector<16xf32>
      %add3A_295 = arith.constant 1.000000e+00 : f32
      %add3A_296 = vector.broadcast %add3A_295 : f32 to vector<16xf32>
      %add3A_297 = arith.addf %add3A_296, %exp3A : vector<16xf32>
      %div3A = arith.constant 1.000000e+00 : f32
      %div3A_298 = vector.broadcast %div3A : f32 to vector<16xf32>
      %div3A_299 = arith.divf %div3A_298, %add3A_297 : vector<16xf32>
      %mul3A_300 = arith.mulf %exp3A, %div3A_299 : vector<16xf32>
      %mul3A_301 = arith.constant 16 : i32
      %mul3A_302 = arith.muli %scan3A_44, %mul3A_301 : i32
      %swap3A = arith.index_cast %mul3A_302 : i32 to index
      %swap3A_303 = tpu.vector_load %arg6[%swap3A] {strides = array<i32>} : memref<512xf32, #tpu.memory_space<vmem>>, vector<16xf32>,
      tpu.vector_store %arg6[%swap3A], %div3A_299 {strides = array<i32>} : memref<512xf32, #tpu.memory_space<vmem>>, vector<16xf32>,
      %swap3A_304 = arith.index_cast %mul3A_302 : i32 to index
      %swap3A_305 = tpu.vector_load %arg7[%swap3A_304] {strides = array<i32>} : memref<512xf32, #tpu.memory_space<vmem>>, vector<16xf32>,
      tpu.vector_store %arg7[%swap3A_304], %mul3A_300 {strides = array<i32>} : memref<512xf32, #tpu.memory_space<vmem>>, vector<16xf32>,
      %swap3A_306 = arith.index_cast %mul3A_302 : i32 to index
      %swap3A_307 = tpu.vector_load %arg8[%swap3A_306] {strides = array<i32>} : memref<512xi32, #tpu.memory_space<vmem>>, vector<16xi32>,
      tpu.vector_store %arg8[%swap3A_306], %select_n3A_294 {strides = array<i32>} : memref<512xi32, #tpu.memory_space<vmem>>, vector<16xi32>,
      %swap3A_308 = arith.index_cast %mul3A_302 : i32 to index
      %swap3A_309 = tpu.vector_load %arg9[%swap3A_308] {strides = array<i32>} : memref<512xi32, #tpu.memory_space<vmem>>, vector<16xi32>,
      tpu.vector_store %arg9[%swap3A_308], %select_n3A_292 {strides = array<i32>} : memref<512xi32, #tpu.memory_space<vmem>>, vector<16xi32>,
    }
    %scan3A_39 = arith.constant 32 : i32
    "tpu.region"() ({
      %run_scoped3A = tpu.sem_alloc : memref<!tpu.dma_semaphore, #tpu.memory_space<semaphore_mem>>
      %dma_start3A = tpu.memref_slice %arg3[%mul3A_2] : memref<32768xf32, #tpu.memory_space<hbm>> -> memref<512xf32, #tpu.memory_space<hbm>>
      %dma_start3A_44 = tpu.memref_slice %arg3[%mul3A_2] : memref<32768xf32, #tpu.memory_space<hbm>> -> memref<512xf32, #tpu.memory_space<hbm>>
      tpu.enqueue_dma source(%arg6 : memref<512xf32, #tpu.memory_space<vmem>>) target(%dma_start3A_44 : memref<512xf32, #tpu.memory_space<hbm>>) target_semaphore(%run_scoped3A : memref<!tpu.dma_semaphore, #tpu.memory_space<semaphore_mem>>)
      %dma_wait3A = tpu.memref_slice %arg3[%mul3A_2] : memref<32768xf32, #tpu.memory_space<hbm>> -> memref<512xf32, #tpu.memory_space<hbm>>
      %dma_wait3A_45 = tpu.memref_slice %arg3[%mul3A_2] : memref<32768xf32, #tpu.memory_space<hbm>> -> memref<512xf32, #tpu.memory_space<hbm>>
      tpu.wait_dma2 semaphore(%run_scoped3A : memref<!tpu.dma_semaphore, #tpu.memory_space<semaphore_mem>>) src(%arg6 : memref<512xf32, #tpu.memory_space<vmem>>) dst(%dma_wait3A_45 : memref<512xf32, #tpu.memory_space<hbm>>)
      tpu.yield
    }) : () -> ()
    %add3A_40 = arith.constant 16384 : i32
    %add3A_41 = arith.addi %add3A_40, %mul3A_2 : i32
    "tpu.region"() ({
      %run_scoped3A = tpu.sem_alloc : memref<!tpu.dma_semaphore, #tpu.memory_space<semaphore_mem>>
      %dma_start3A = tpu.memref_slice %arg3[%add3A_41] : memref<32768xf32, #tpu.memory_space<hbm>> -> memref<512xf32, #tpu.memory_space<hbm>>
      %dma_start3A_44 = tpu.memref_slice %arg3[%add3A_41] : memref<32768xf32, #tpu.memory_space<hbm>> -> memref<512xf32, #tpu.memory_space<hbm>>
      tpu.enqueue_dma source(%arg7 : memref<512xf32, #tpu.memory_space<vmem>>) target(%dma_start3A_44 : memref<512xf32, #tpu.memory_space<hbm>>) target_semaphore(%run_scoped3A : memref<!tpu.dma_semaphore, #tpu.memory_space<semaphore_mem>>)
      %dma_wait3A = tpu.memref_slice %arg3[%add3A_41] : memref<32768xf32, #tpu.memory_space<hbm>> -> memref<512xf32, #tpu.memory_space<hbm>>
      %dma_wait3A_45 = tpu.memref_slice %arg3[%add3A_41] : memref<32768xf32, #tpu.memory_space<hbm>> -> memref<512xf32, #tpu.memory_space<hbm>>
      tpu.wait_dma2 semaphore(%run_scoped3A : memref<!tpu.dma_semaphore, #tpu.memory_space<semaphore_mem>>) src(%arg7 : memref<512xf32, #tpu.memory_space<vmem>>) dst(%dma_wait3A_45 : memref<512xf32, #tpu.memory_space<hbm>>)
      tpu.yield
    }) : () -> ()
    "tpu.region"() ({
      %run_scoped3A = tpu.sem_alloc : memref<!tpu.dma_semaphore, #tpu.memory_space<semaphore_mem>>
      %dma_start3A = tpu.memref_slice %arg4[%mul3A_2] : memref<32768xi32, #tpu.memory_space<hbm>> -> memref<512xi32, #tpu.memory_space<hbm>>
      %dma_start3A_44 = tpu.memref_slice %arg4[%mul3A_2] : memref<32768xi32, #tpu.memory_space<hbm>> -> memref<512xi32, #tpu.memory_space<hbm>>
      tpu.enqueue_dma source(%arg8 : memref<512xi32, #tpu.memory_space<vmem>>) target(%dma_start3A_44 : memref<512xi32, #tpu.memory_space<hbm>>) target_semaphore(%run_scoped3A : memref<!tpu.dma_semaphore, #tpu.memory_space<semaphore_mem>>)
      %dma_wait3A = tpu.memref_slice %arg4[%mul3A_2] : memref<32768xi32, #tpu.memory_space<hbm>> -> memref<512xi32, #tpu.memory_space<hbm>>
      %dma_wait3A_45 = tpu.memref_slice %arg4[%mul3A_2] : memref<32768xi32, #tpu.memory_space<hbm>> -> memref<512xi32, #tpu.memory_space<hbm>>
      tpu.wait_dma2 semaphore(%run_scoped3A : memref<!tpu.dma_semaphore, #tpu.memory_space<semaphore_mem>>) src(%arg8 : memref<512xi32, #tpu.memory_space<vmem>>) dst(%dma_wait3A_45 : memref<512xi32, #tpu.memory_space<hbm>>)
      tpu.yield
    }) : () -> ()
    %add3A_42 = arith.constant 16384 : i32
    %add3A_43 = arith.addi %add3A_42, %mul3A_2 : i32
    "tpu.region"() ({
      %run_scoped3A = tpu.sem_alloc : memref<!tpu.dma_semaphore, #tpu.memory_space<semaphore_mem>>
      %dma_start3A = tpu.memref_slice %arg4[%add3A_43] : memref<32768xi32, #tpu.memory_space<hbm>> -> memref<512xi32, #tpu.memory_space<hbm>>
      %dma_start3A_44 = tpu.memref_slice %arg4[%add3A_43] : memref<32768xi32, #tpu.memory_space<hbm>> -> memref<512xi32, #tpu.memory_space<hbm>>
      tpu.enqueue_dma source(%arg9 : memref<512xi32, #tpu.memory_space<vmem>>) target(%dma_start3A_44 : memref<512xi32, #tpu.memory_space<hbm>>) target_semaphore(%run_scoped3A : memref<!tpu.dma_semaphore, #tpu.memory_space<semaphore_mem>>)
      %dma_wait3A = tpu.memref_slice %arg4[%add3A_43] : memref<32768xi32, #tpu.memory_space<hbm>> -> memref<512xi32, #tpu.memory_space<hbm>>
      %dma_wait3A_45 = tpu.memref_slice %arg4[%add3A_43] : memref<32768xi32, #tpu.memory_space<hbm>> -> memref<512xi32, #tpu.memory_space<hbm>>
      tpu.wait_dma2 semaphore(%run_scoped3A : memref<!tpu.dma_semaphore, #tpu.memory_space<semaphore_mem>>) src(%arg9 : memref<512xi32, #tpu.memory_space<vmem>>) dst(%dma_wait3A_45 : memref<512xi32, #tpu.memory_space<hbm>>)
      tpu.yield
    }) : () -> ()
    return
  }
}

module attributes {stable_mosaic.version = 14 : i64} {
  func.func @_matmul_body(%arg0: i32, %arg1: memref<1024x2048xf32, #tpu.memory_space<vmem>>, %arg2: memref<16x2048xf32, #tpu.memory_space<vmem>>, %arg3: memref<16x1024xf32, #tpu.memory_space<vmem>>) attributes {dimension_semantics = [#tpu.dimension_semantics<arbitrary>], iteration_bounds = array<i64: 16>, scalar_prefetch = 0 : i64, scratch_operands = 0 : i64, tpu.core_type = #tpu.core_type<tc>, window_params = [{transform_indices = @transform_0, window_bounds = array<i64: 1024, 2048>}, {pipeline_mode = #tpu.pipeline_mode<synchronous>, transform_indices = @transform_1, window_bounds = array<i64: 16, 2048>}, {transform_indices = @transform_2, window_bounds = array<i64: 16, 1024>}]} {
    %get3A = arith.constant 0 : index
    %get3A_0 = arith.constant 0 : index
    %get3A_1 = vector.load %arg2[%get3A, %get3A_0] : memref<16x2048xf32, #tpu.memory_space<vmem>>, vector<16x2048xf32>
    %get3A_2 = arith.constant 0 : index
    %get3A_3 = arith.constant 0 : index
    %get3A_4 = vector.load %arg1[%get3A_2, %get3A_3] : memref<1024x2048xf32, #tpu.memory_space<vmem>>, vector<1024x2048xf32>
    %dot_general3A = arith.constant dense<0.000000e+00> : vector<16x1024xf32>
    %dot_general3A_5 = tpu.matmul %get3A_1, %get3A_4, %dot_general3A {dimension_numbers = #tpu.dot_dimension_numbers<[1], [1], [0], [0], [0, 0, 1, 0], [], []>, transpose_lhs_hint = false} : vector<16x2048xf32>, vector<1024x2048xf32>, vector<16x1024xf32> -> vector<16x1024xf32>
    %swap3A = arith.constant 0 : index
    %swap3A_6 = arith.constant 0 : index
    %swap3A_7 = vector.load %arg3[%swap3A, %swap3A_6] : memref<16x1024xf32, #tpu.memory_space<vmem>>, vector<16x1024xf32>
    tpu.vector_store %arg3[%swap3A, %swap3A_6], %dot_general3A_5 {strides = array<i32>} : memref<16x1024xf32, #tpu.memory_space<vmem>>, vector<16x1024xf32>,
    return
  }
  func.func @transform_0(%arg0: i32) -> (i32, i32) {
    %c0_i32 = arith.constant 0 : i32
    %c0_i32_0 = arith.constant 0 : i32
    return %arg0, %c0_i32 : i32, i32
  }
  func.func @transform_1(%arg0: i32) -> (i32, i32) {
    %c0_i32 = arith.constant 0 : i32
    %c0_i32_0 = arith.constant 0 : i32
    %c0_i32_1 = arith.constant 0 : i32
    return %c0_i32, %c0_i32_0 : i32, i32
  }
  func.func @transform_2(%arg0: i32) -> (i32, i32) {
    %c0_i32 = arith.constant 0 : i32
    %c0_i32_0 = arith.constant 0 : i32
    return %c0_i32, %arg0 : i32, i32
  }
}

</mosaic_0001>

<sc_bundles>
// kernel: kernel.4.cloned.1.call-start
scs
__scs_entry_jumppad:
0x0: {  	(pc) =	sbr.rel $0x88, $3  }
0x1: {  	(tag) =	ssettag $0x0;
	lr =	simm.s32 $0x1  }
0x2: {  	[smem:$0x3F9F] =	sst lr;
	_ =	strace $0xD0000000  }
0x3: {  	_ = 	snop  }
0x4: {  	_ = 	snop  }
0x5: {  	_ = 	snop  }
0x6: {  	_ = 	snop  }
0x7: {  	_ = 	snop  }
__scs_overlays_trampoline_lowered:
0x8: {  	[smem:$0x3FAE] =	sst s0  }
0x9: {  	[smem:$0x3FAF] =	sst s1  }
0xa: {  	[smem:$0x3FB0] =	sst s2  }
0xb: {  	[smem:$0x3FB1] =	sst s3  }
0xc: {  	[smem:$0x3FB2] =	sst s4  }
0xd: {  	[smem:$0x3FB3] =	sst s5  }
0xe: {  	[smem:$0x3FB4] =	sst s6  }
0xf: {  	[smem:$0x3FB5] =	sst s7  }
0x10: {  	[smem:$0x3FB6] =	sst s8  }
0x11: {  	[smem:$0x3FB7] =	sst s9;
	s0 =	simm.s32 @!p0 $0x0  }
0x12: {  	s1 =	sld [smem:$0x3F9D];
	s0 =	simm.s32 @p0 $0x1  }
0x13: {  	[smem:$0x3FB8] =	sst s0;
	s0 =	simm.s32 @!p1 $0x0  }
0x14: {  	s2 =	sld [smem:$0x3F9C];
	s0 =	simm.s32 @p1 $0x1  }
0x15: {  	[smem:$0x3FB9] =	sst s0;
	s0 =	simm.s32 @!p2 $0x0  }
0x16: {  	s3 =	sld [smem:$0x3FDB];
	s0 =	simm.s32 @p2 $0x1  }
0x17: {  	s4 =	simm.s32 $0x1BF5;
	[smem:$0x3FBB] =	sst s0  }
0x18: {  	s0 =	sld [smem:$0x3F9E];
	_ =	swait.ge [sflag:s4], $0x0  }
0x19: {  	s7 =	sld [smem:$0x3F9F]  }
0x1a: {  	s8 =	sadd.s32 $0xFFFFE003, lr  }
0x1b: {  	s9 =	sadd.s32 $0xFFFFFEF7, lr;
	s5 =	simm.s32 $0xFFFFFFFF;
	p2 =	slt.u32 s8, $0xFFFFF086  }
0x1c: {  	p1 =	slt.u32 s9, $0xF7A;
	s5 =	simm.s32 @!p2 $0x0  }
0x1d: {  	s5 =	simm.s32 @p1 $0x1;
	p0 =	seq.s32 s7, s2  }
0x1e: {  	s7 =	smul.u32 @!p0 $0xF7A, s2;
	p2 =	seq.s32 @!p0 s5, $0x0  }
0x1f: {  	s9 =	smul.u32 $0xF7A, s1;
	s8 =	simm.s32 @!p0 $0x1BF5;
	p2 =	por !p2, p0  }
0x20: {  	[sflag:s8] =	ssyncset.s32 @!p0 $0xFFFFF086;
	s6 =	sadd.s32 @!p0 s3, s7;
	s7 =	simm.s32 @!p0 $0x108  }
0x21: {  	s3 =	sadd.s32 s3, s9;
	s6 =	sadd.s32 @!p0 $0x88, s6;
	s7 =	simm.s32 @p2 $0x1082  }
0x22: {  	[simem:s7], [sflag:s8] =	dma.local @!p0 [hbm:s6], $0xF7A  }
0x23: {  	s9 =	sor.u32 $0xD0000000, s2;
	s6 =	simm.s32 $0x108;
	_ =	swait.ge @!p0 [sflag:s8], $0x0  }
0x24: {  	s3 =	sadd.s32 $0x88, s3;
	s6 =	simm.s32 @!p1 $0x1082;
	[sflag:s4] =	ssyncset.s32 $0xFFFFF086  }
0x25: {  	[simem:s6], [sflag:s4] =	dma.local [hbm:s3], $0xF7A  }
0x26: {  	[smem:$0x3F9F] =	sst s1;
	(tag) =	ssettag s2;
	_ =	strace s9  }
0x27: {  	s1 =	sld [smem:$0x3FAF]  }
0x28: {  	s2 =	sld [smem:$0x3FB0]  }
0x29: {  	s4 =	sld [smem:$0x3FB2]  }
0x2a: {  	p0 =	seq.s32 s5, $0x0;
	s5 =	sld [smem:$0x3FB3]  }
0x2b: {  	s6 =	sld [smem:$0x3FB4]  }
0x2c: {  	s7 =	sld [smem:$0x3FB5]  }
0x2d: {  	s3 =	simm.s32 $0x108;
	s8 =	sld [smem:$0x3FB6]  }
0x2e: {  	s3 =	simm.s32 @!p0 $0x1082;
	s9 =	sld [smem:$0x3FB7]  }
0x2f: {  	lr =	sadd.s32 s0, s3;
	s0 =	sld [smem:$0x3FAE]  }
0x30: {  	s3 =	sld [smem:$0x3FB1]  }
0x31: {  	[smem:$0x3FBA] =	sst s10  }
0x32: {  	s10 =	sld [smem:$0x3FB8];
	_ =	sdelay $0x3  }
0x33: {  	p0 =	seq.s32 s10, $0x1;
	s10 =	sld [smem:$0x3FBA];
	_ =	sdelay $0x3  }
0x34: {  	[smem:$0x3FBA] =	sst s10  }
0x35: {  	s10 =	sld [smem:$0x3FB9];
	_ =	sdelay $0x3  }
0x36: {  	p1 =	seq.s32 s10, $0x1;
	s10 =	sld [smem:$0x3FBA];
	_ =	sdelay $0x3  }
0x37: {  	[smem:$0x3FBA] =	sst s10  }
0x38: {  	s10 =	sld [smem:$0x3FBB]  }
0x39: {  	_ = 	snop;
	(pc) =	sbr.ind lr, $3  }
0x3a: {  	_ = 	snop  }
0x3b: {  	_ = 	snop  }
0x3c: {  	p2 =	seq.s32 s10, $0x1;
	s10 =	sld [smem:$0x3FBA]  }
0x3d: {  	_ =	shalt  }
0x3e: {  	_ =	shalt  }
0x3f: {  	_ =	shalt  }
0x40: {  	_ =	shalt  }
0x41: {  	_ =	shalt  }
0x42: {  	_ =	shalt  }
0x43: {  	_ =	shalt  }
0x44: {  	_ =	shalt  }
0x45: {  	_ =	shalt  }
0x46: {  	_ =	shalt  }
0x47: {  	_ =	shalt  }
0x48: {  	_ =	shalt  }
0x49: {  	_ =	shalt  }
0x4a: {  	_ =	shalt  }
0x4b: {  	_ =	shalt  }
0x4c: {  	_ =	shalt  }
0x4d: {  	_ =	shalt  }
0x4e: {  	_ =	shalt  }
0x4f: {  	_ =	shalt  }
0x50: {  	_ =	shalt  }
0x51: {  	_ =	shalt  }
0x52: {  	_ =	shalt  }
0x53: {  	_ =	shalt  }
0x54: {  	_ =	shalt  }
0x55: {  	_ =	shalt  }
0x56: {  	_ =	shalt  }
0x57: {  	_ =	shalt  }
0x58: {  	_ =	shalt  }
0x59: {  	_ =	shalt  }
0x5a: {  	_ =	shalt  }
0x5b: {  	_ =	shalt  }
0x5c: {  	_ =	shalt  }
0x5d: {  	_ =	shalt  }
0x5e: {  	_ =	shalt  }
0x5f: {  	_ =	shalt  }
0x60: {  	_ =	shalt  }
0x61: {  	_ =	shalt  }
0x62: {  	_ =	shalt  }
0x63: {  	_ =	shalt  }
0x64: {  	_ =	shalt  }
0x65: {  	_ =	shalt  }
0x66: {  	_ =	shalt  }
0x67: {  	_ =	shalt  }
0x68: {  	_ =	shalt  }
0x69: {  	_ =	shalt  }
0x6a: {  	_ =	shalt  }
0x6b: {  	_ =	shalt  }
0x6c: {  	_ =	shalt  }
0x6d: {  	_ =	shalt  }
0x6e: {  	_ =	shalt  }
0x6f: {  	_ =	shalt  }
0x70: {  	_ =	shalt  }
0x71: {  	_ =	shalt  }
0x72: {  	_ =	shalt  }
0x73: {  	_ =	shalt  }
0x74: {  	_ =	shalt  }
0x75: {  	_ =	shalt  }
0x76: {  	_ =	shalt  }
0x77: {  	_ =	shalt  }
0x78: {  	_ =	shalt  }
0x79: {  	_ =	shalt  }
0x7a: {  	_ =	shalt  }
0x7b: {  	_ =	shalt  }
0x7c: {  	_ =	shalt  }
0x7d: {  	_ =	shalt  }
0x7e: {  	_ =	shalt  }
0x7f: {  	_ =	shalt  }
0x80: {  	_ =	shalt  }
0x81: {  	_ =	shalt  }
0x82: {  	_ =	shalt  }
0x83: {  	_ =	shalt  }
0x84: {  	_ =	shalt  }
0x85: {  	_ =	shalt  }
0x86: {  	_ =	shalt  }
0x87: {  	_ =	shalt  }
.Lfunc_end0:
.L_simem_size_0:
called_computation_lowered:
.L_overlay_start_0:
0x88: {  	s2 =	sld [smem:$0x3FD9]  }
0x89: {  	s3 =	sld [smem:$0x3FFE];
	_ =	sdelay $0x1  }
0x8a: {  	s1 =	srdreg.scid  }
0x8b: {  	s0 =	sand.u32 $0x1, s1  }
0x8c: {  	s14 =	sshll.u32 s0, $0xA;
	s2 =	sadd.s32 s3, s2  }
0x8d: {  	s2 =	sadd.s32 s2, s14  }
0x8e: {  	[smem:$0x3FC6] =	sst s2  }
0x8f: {  	_ = 	snop  }
0x90: {  	s2 =	sld [smem:$0x3FD0];
	_ =	sdelay $0x2  }
0x91: {  	s15 =	simm.s32 $0xA;
	s4 =	simm.s32 $0x10  }
0x92: {  	[smem:s4], [sflag:s15] =	dma.local [hbm:s2], $0x1  }
0x93: {  	_ =	swait.eq [sflag:s15], $0x1  }
0x94: {  	[sflag:s15] =	ssyncset.done $0x0  }
0x95: {  	[sflag:s15] =	ssyncadd.s32 $0xFFFFFFFF  }
0x96: {  	s16 =	sld [smem:$0x11];
	(tm) =	ssettm $0x1  }
0x97: {  	s17 =	sld [smem:$0x3FFB];
	_ =	sdelay $0x3  }
0x98: {  	_ =	strace s17  }
0x99: {  	s3 =	sld [smem:$0x3FFC];
	_ =	sdelay $0x3  }
0x9a: {  	_ =	strace s3  }
0x9b: {  	s3 =	sld [smem:$0x3FFD];
	_ =	sdelay $0x3  }
0x9c: {  	_ =	strace s3  }
0x9d: {  	_ =	strace $0x8FFFFFFF  }
0x9e: {  	s18 =	sld [smem:$0x3FDB];
	_ =	sdelay $0x1  }
0x9f: {  	s19 =	simm.s32 $_scs_section_size  }
0xa0: {  	s5 =	simm.s32 $_size__tile_overlayer_lowered;
	s6 =	simm.s32 $_tile_overlayer_lowered  }
0xa1: {  	s22 =	simm.s32 $0x1BFF;
	s21 =	sshll.u32 s6, $0x1;
	s3 =	sadd.s32 s19, s18  }
0xa2: {  	s7 =	simm.s32 $0x0;
	s20 =	sshll.u32 s5, $0x1;
	s5 =	sadd.s32 s21, s3  }
0xa3: {  	[timem:s7], [sflag:s22] =	dma.local [hbm:s5], s20  }
0xa4: {  	_ =	swait.ge [sflag:s22], s20  }
0xa5: {  	s4 =	ssub.s32 $0x0, s20;
	[sflag:s22] =	ssyncset.done $0x0  }
0xa6: {  	[sflag:s22] =	ssyncadd.s32 s4;
	_ =	sdelay $0x1  }
0xa7: {  	s23 =	simm.s32 $0x1B8B  }
0xa8: {  	_ =	swait.ge [sflag:s23], $0x1  }
0xa9: {  	[sflag:s23] =	ssyncset.done $0x0  }
0xaa: {  	s25 =	simm.s32 $0x1B8E;
	s24 =	sld [smem:$0x3FFE];
	[sflag:s23] =	ssyncadd.s32 $0xFFFFFFFF  }
0xab: {  	s26 =	simm.s32 $execute0_lowered;
	[smem:$0x3FD2] =	sst s25  }
0xac: {  	s5 =	sshll.u32 s26, $0x1;
	_ =	strace $0x80000046;
	[dreg:$0x1] =	wrdreg $0xFFFFFFFF  }
0xad: {  	s28 =	simm.s32 $_size_execute0_lowered;
	s3 =	sadd.s32 s3, s5;
	[dreg:$0x0] =	wrdreg $0x0  }
0xae: {  	s5 =	sshll.u32 s28, $0x1;
	[dreg:$0x2] =	wrdreg s3  }
0xaf: {  	[dreg:$0x3] =	wrdreg s5  }
0xb0: {  	[dreg:$0x4] =	wrdreg $0xC0  }
0xb1: {  	_ =	task [dreg:s7], $0x5FFFF  }
0xb2: {  	[dreg:$0x1] =	wrdreg $0xFFFFFFFF  }
0xb3: {  	[dreg:$0x0] =	wrdreg $0x60  }
0xb4: {  	[dreg:$0x2] =	wrdreg s24  }
0xb5: {  	[dreg:$0x3] =	wrdreg s16  }
0xb6: {  	[dreg:$0x4] =	wrdreg $0x9  }
0xb7: {  	_ =	task.clear_ibuf [dreg:s7], $0x5FFFF;
	_ =	strace $0x90000046  }
0xb8: {  	s29 =	simm.s32 $0x9;
	_ =	strace $0x80000048  }
0xb9: {  	_ =	swait.ge [sflag:s29], $0x1  }
0xba: {  	[sflag:s29] =	ssyncadd.s32 $0xFFFFFFFF  }
0xbb: {  	_ =	strace $0x90000048  }
0xbc: {  	_ =	sfence  }
0xbd: {  	s30 =	sld [smem:$0x0];
	_ =	sdelay $0x2  }
0xbe: {  	s31 =	sshll.u32 s1, $0xD;
	s1 =	sshrl.u32 s1, $0x2  }
0xbf: {  	s3 =	sand.u32 $0x4000, s31;
	s1 =	sadd.s32 s1, s30  }
0xc0: {  	s0 =	sor.u32 s3, s0;
	s1 =	sshll.u32 s1, $0x11  }
0xc1: {  	s0 =	sor.u32 s1, s0  }
0xc2: {  	s0 =	sadd.s32 $0x8F2B, s0  }
0xc3: {  	[sflag:s0] =	ssyncadd.remote.s32 $0x1  }
0xc4: {  	_ =	sfence.sel $0xFFFF  }
0xc5: {  	[dreg:$0x0] =	wrdreg $0xFFFFFFFF;
	(pc) =	sbr.abs _section_cstart, $3  }
0xc6: {  	[dreg:$0x1] =	wrdreg $0xFFFFFFFF  }
0xc7: {  	_ =	task.clear_ibuf [dreg:s7], $0x2FFFF;
	_ =	strace $0x9FFFFFFF  }
0xc8: {  	(tm) =	ssettm $0x7FFFFFFF  }
0xc9: {  	_ =	shalt  }
tec
execute0_lowered:
.L_overlay_start_1:
0x0: {  	(tag) =	ssettag $0x1  }
0x1: {  	s0 =	rddreg [dreg:$0x0]  }
0x2: {  	s1 =	rddreg [dreg:$0x1];
	s2 =	simm.s32 $0x0;
	s3 =	srdreg.scid  }
0x3: {  	s5 =	stileid.u32;
	s29 =	simm.s32 $0x0;
	[smem:$0x7FF] =	sst s2  }
0x4: {  	s3 =	sand.u32 $0x1, s3;
	s4 =	sadd.s32 $0xA00, s0;
	s5 =	sshll.u32 s5, $0x7  }
0x5: {  	s0 =	sadd.s32 $0x8A00, s0;
	s6 =	sshll.u32 s3, $0x6;
	s7 =	ssub.s32 $0x2, s3  }
0x6: {  	_ =	strace $0x80000047;
	s5 =	sor.u32 s6, s5;
	s24 =	sshrl.u32 s7, $0x1  }
0x7: {  	s3 =	sadd.s32 s4, s5;
	s8 =	sor.u32 $0x800, s5;
	s6 =	ssub.s32 s7, s24  }
0x8: {  	s19 =	sadd.s32 s1, s5;
	s21 =	sadd.s32 s0, s5;
	s24 =	simm.s32 $0x1  }
0x9: {  	s4 =	sadd.s32 s4, s8;
	s25 =	sadd.s32 $0x1000, s3;
	s26 =	sadd.s32 $0x1800, s3  }
0xa: {  	s28 =	sadd.s32 $0x2000, s3;
	s30 =	sadd.s32 $0x2800, s3;
	s31 =	sadd.s32 $0x3000, s3  }
0xb: {  	s10 =	sadd.s32 $0x3800, s3;
	s11 =	sadd.s32 $0x4000, s3;
	s12 =	sadd.s32 $0x4800, s3  }
0xc: {  	s13 =	sadd.s32 $0x5000, s3;
	s14 =	sadd.s32 $0x5800, s3;
	[dreg:$0x3] =	wrdreg s4  }
0xd: {  	s15 =	sadd.s32 $0x6000, s3;
	s16 =	sadd.s32 $0x6800, s3;
	[dreg:$0x4] =	wrdreg s25  }
0xe: {  	s17 =	sadd.s32 $0x7000, s3;
	s18 =	sadd.s32 $0x7800, s3;
	[dreg:$0x5] =	wrdreg s26  }
0xf: {  	s20 =	sadd.s32 s1, s8;
	s22 =	sadd.s32 s0, s8;
	[dreg:$0x6] =	wrdreg s28  }
0x10: {  	s23 =	smax.u32 s6, $0x1;
	s1 =	simm.s32 $0x2000;
	[dreg:$0x7] =	wrdreg s30  }
0x11: {  	v0 =	vimm.s32 $0x0;
	[dreg:$0x8] =	wrdreg s31;
	s25 =	simm.s32 $0x2200;
	s26 =	simm.s32 $0x2400  }
.LBB2_1:
0x12: {  	[tilespmem:s2], [sflag:$0x1] =	stream.linear.gather [hbm4b:s3+s2], $0x200, $0x38;
	[tilespmem:$0x2800] =	vst v63  }
0x13: {  	_ =	swait.ge [sflag:s24], $0x200  }
0x14: {  	[sflag:s24] =	ssyncset.done $0x0  }
0x15: {  	s4 =	simm.s32 $0x200;
	s0 =	rddreg [dreg:$0x3];
	[sflag:s24] =	ssyncadd.s32 $0xFFFFFE00  }
0x16: {  	[tilespmem:s4], [sflag:$0x1] =	stream.linear.gather [hbm4b:s0+s2], $0x200, $0x38;
	[tilespmem:$0x2800] =	vst v63  }
0x17: {  	_ =	swait.ge [sflag:s24], $0x200  }
0x18: {  	[sflag:s24] =	ssyncset.done $0x0  }
0x19: {  	s9 =	simm.s32 $0x400;
	s8 =	rddreg [dreg:$0x4];
	[sflag:s24] =	ssyncadd.s32 $0xFFFFFE00  }
0x1a: {  	[tilespmem:s9], [sflag:$0x1] =	stream.linear.gather [hbm4b:s8+s2], $0x200, $0x38;
	[tilespmem:$0x2800] =	vst v63  }
0x1b: {  	_ =	swait.ge [sflag:s24], $0x200  }
0x1c: {  	[sflag:s24] =	ssyncset.done $0x0  }
0x1d: {  	s5 =	simm.s32 $0x600;
	s4 =	rddreg [dreg:$0x5];
	[sflag:s24] =	ssyncadd.s32 $0xFFFFFE00  }
0x1e: {  	[tilespmem:s5], [sflag:$0x1] =	stream.linear.gather [hbm4b:s4+s2], $0x200, $0x38;
	[tilespmem:$0x2800] =	vst v63  }
0x1f: {  	_ =	swait.ge [sflag:s24], $0x200  }
0x20: {  	[sflag:s24] =	ssyncset.done $0x0  }
0x21: {  	s7 =	simm.s32 $0x800;
	s6 =	rddreg [dreg:$0x6];
	[sflag:s24] =	ssyncadd.s32 $0xFFFFFE00  }
0x22: {  	[tilespmem:s7], [sflag:$0x1] =	stream.linear.gather [hbm4b:s6+s2], $0x200, $0x38;
	[tilespmem:$0x2800] =	vst v63  }
0x23: {  	_ =	swait.ge [sflag:s24], $0x200  }
0x24: {  	[sflag:s24] =	ssyncset.done $0x0  }
0x25: {  	s9 =	simm.s32 $0xA00;
	s8 =	rddreg [dreg:$0x7];
	[sflag:s24] =	ssyncadd.s32 $0xFFFFFE00  }
0x26: {  	[tilespmem:s9], [sflag:$0x1] =	stream.linear.gather [hbm4b:s8+s2], $0x200, $0x38;
	[tilespmem:$0x2800] =	vst v63  }
0x27: {  	_ =	swait.ge [sflag:s24], $0x200  }
0x28: {  	[sflag:s24] =	ssyncset.done $0x0  }
0x29: {  	s5 =	simm.s32 $0xC00;
	s4 =	rddreg [dreg:$0x8];
	[sflag:s24] =	ssyncadd.s32 $0xFFFFFE00  }
0x2a: {  	[tilespmem:s5], [sflag:$0x1] =	stream.linear.gather [hbm4b:s4+s2], $0x200, $0x38;
	[tilespmem:$0x2800] =	vst v63  }
0x2b: {  	_ =	swait.ge [sflag:s24], $0x200  }
0x2c: {  	[sflag:s24] =	ssyncset.done $0x0  }
0x2d: {  	s6 =	simm.s32 $0xE00;
	[sflag:s24] =	ssyncadd.s32 $0xFFFFFE00  }
0x2e: {  	[tilespmem:s6], [sflag:$0x1] =	stream.linear.gather [hbm4b:s10+s2], $0x200, $0x38;
	[tilespmem:$0x2800] =	vst v63  }
0x2f: {  	_ =	swait.ge [sflag:s24], $0x200  }
0x30: {  	[sflag:s24] =	ssyncset.done $0x0  }
0x31: {  	s7 =	simm.s32 $0x1000;
	[sflag:s24] =	ssyncadd.s32 $0xFFFFFE00  }
0x32: {  	[tilespmem:s7], [sflag:$0x1] =	stream.linear.gather [hbm4b:s11+s2], $0x200, $0x38;
	[tilespmem:$0x2800] =	vst v63  }
0x33: {  	_ =	swait.ge [sflag:s24], $0x200  }
0x34: {  	[sflag:s24] =	ssyncset.done $0x0  }
0x35: {  	s8 =	simm.s32 $0x1200;
	[sflag:s24] =	ssyncadd.s32 $0xFFFFFE00  }
0x36: {  	[tilespmem:s8], [sflag:$0x1] =	stream.linear.gather [hbm4b:s12+s2], $0x200, $0x38;
	[tilespmem:$0x2800] =	vst v63  }
0x37: {  	_ =	swait.ge [sflag:s24], $0x200  }
0x38: {  	[sflag:s24] =	ssyncset.done $0x0  }
0x39: {  	s9 =	simm.s32 $0x1400;
	[sflag:s24] =	ssyncadd.s32 $0xFFFFFE00  }
0x3a: {  	[tilespmem:s9], [sflag:$0x1] =	stream.linear.gather [hbm4b:s13+s2], $0x200, $0x38;
	[tilespmem:$0x2800] =	vst v63  }
0x3b: {  	_ =	swait.ge [sflag:s24], $0x200  }
0x3c: {  	[sflag:s24] =	ssyncset.done $0x0  }
0x3d: {  	s4 =	simm.s32 $0x1600;
	[sflag:s24] =	ssyncadd.s32 $0xFFFFFE00  }
0x3e: {  	[tilespmem:s4], [sflag:$0x1] =	stream.linear.gather [hbm4b:s14+s2], $0x200, $0x38;
	[tilespmem:$0x2800] =	vst v63  }
0x3f: {  	_ =	swait.ge [sflag:s24], $0x200  }
0x40: {  	[sflag:s24] =	ssyncset.done $0x0  }
0x41: {  	s5 =	simm.s32 $0x1800;
	[sflag:s24] =	ssyncadd.s32 $0xFFFFFE00  }
0x42: {  	[tilespmem:s5], [sflag:$0x1] =	stream.linear.gather [hbm4b:s15+s2], $0x200, $0x38;
	[tilespmem:$0x2800] =	vst v63  }
0x43: {  	_ =	swait.ge [sflag:s24], $0x200  }
0x44: {  	[sflag:s24] =	ssyncset.done $0x0  }
0x45: {  	s6 =	simm.s32 $0x1A00;
	[sflag:s24] =	ssyncadd.s32 $0xFFFFFE00  }
0x46: {  	[tilespmem:s6], [sflag:$0x1] =	stream.linear.gather [hbm4b:s16+s2], $0x200, $0x38;
	[tilespmem:$0x2800] =	vst v63  }
0x47: {  	_ =	swait.ge [sflag:s24], $0x200  }
0x48: {  	[sflag:s24] =	ssyncset.done $0x0  }
0x49: {  	s7 =	simm.s32 $0x1C00;
	[sflag:s24] =	ssyncadd.s32 $0xFFFFFE00  }
0x4a: {  	[tilespmem:s7], [sflag:$0x1] =	stream.linear.gather [hbm4b:s17+s2], $0x200, $0x38;
	[tilespmem:$0x2800] =	vst v63  }
0x4b: {  	_ =	swait.ge [sflag:s24], $0x200  }
0x4c: {  	[sflag:s24] =	ssyncset.done $0x0  }
0x4d: {  	s8 =	simm.s32 $0x1E00;
	[sflag:s24] =	ssyncadd.s32 $0xFFFFFE00  }
0x4e: {  	[tilespmem:s8], [sflag:$0x1] =	stream.linear.gather [hbm4b:s18+s2], $0x200, $0x38;
	[tilespmem:$0x2800] =	vst v63  }
0x4f: {  	_ =	swait.ge [sflag:s24], $0x200  }
0x50: {  	[sflag:s24] =	ssyncset.done $0x0  }
0x51: {  	s9 =	sand.u32 $0x1F0, s2;
	[sflag:s24] =	ssyncadd.s32 $0xFFFFFE00  }
0x52: {  	v1 =	vld [tilespmem:s9+$0x200]  }
0x53: {  	v2 =	vld [tilespmem:s2+$0x0];
	_ =	sdelay $0x3  }
0x54: {  	v4 =	vimm.s32 $0x0  }
0x55: {  	v3 =	vld [tilespmem:s9+$0x400];
	vm0 =	vlt.f32 v1, $-Inf;
	vm1 =	vgt.f32 v1, $-Inf;
	vm2 =	vgt.f32 v1, v2  }
0x56: {  	v32 =	vimm.s32 $0x0;
	v4 =	vsel vm2, $0xFFFFFFFF, v4;
	vm0 =	vmor vm1, vm0  }
0x57: {  	v33 =	vimm.s32 $0x0;
	vm9 =	vmneg vm2;
	[tilespmem:$0x1FF10] =	vst v4;
	v4 =	vsel vm0, $0xFFFFFFFF, v32  }
0x58: {  	v34 =	vnsel vm0, $0xFF800000, v1;
	[tilespmem:$0x1FF00] =	vst v4;
	v4 =	vsel vm9, $0xFFFFFFFF, v33  }
0x59: {  	v5 =	vld [tilespmem:s9+$0x600];
	[tilespmem:$0x1FEF0] =	vst v4;
	v4 =	vsel vm9, v34, v2  }
0x5a: {  	v1 =	vsel vm9, v2, v1;
	v2 =	vimm.s32 $0x0;
	vm10 =	vgt.f32 v3, v4  }
0x5b: {  	v2 =	vsel vm10, $0xFFFFFFFF, v2  }
0x5c: {  	vm14 =	vgt.f32 v3, v1;
	[tilespmem:$0x1FF20] =	vst v2;
	v2 =	vsel vm10, v3, v4  }
0x5d: {  	v35 =	vld [tilespmem:s9+$0x800];
	v2 =	vsel vm14, v1, v2  }
0x5e: {  	v1 =	vsel vm14, v3, v1;
	v3 =	vimm.s32 $0x0;
	vm11 =	vgt.f32 v5, v2  }
0x5f: {  	v3 =	vsel vm11, $0xFFFFFFFF, v3  }
0x60: {  	vm12 =	vgt.f32 v5, v1;
	v2 =	vsel vm11, v5, v2;
	[tilespmem:$0x1FF30] =	vst v3;
	v3 =	vld [tilespmem:s9+$0xA00]  }
0x61: {  	v2 =	vsel vm12, v1, v2  }
0x62: {  	v1 =	vsel vm12, v5, v1;
	vm4 =	vgt.f32 v35, v2  }
0x63: {  	v37 =	vld [tilespmem:s9+$0xC00];
	vm10 =	vgt.f32 v35, v1;
	v2 =	vsel vm4, v35, v2  }
0x64: {  	v2 =	vsel vm10, v1, v2  }
0x65: {  	v1 =	vsel vm10, v35, v1;
	vm5 =	vgt.f32 v3, v2  }
0x66: {  	vm9 =	vgt.f32 v3, v1;
	v2 =	vsel vm5, v3, v2  }
0x67: {  	v39 =	vld [tilespmem:s9+$0xE00];
	v2 =	vsel vm9, v1, v2  }
0x68: {  	v1 =	vsel vm9, v3, v1;
	v3 =	vimm.s32 $0x0;
	vm6 =	vgt.f32 v37, v2  }
0x69: {  	v3 =	vsel vm6, $0xFFFFFFFF, v3  }
0x6a: {  	vm11 =	vgt.f32 v37, v1;
	v2 =	vsel vm6, v37, v2;
	[tilespmem:$0x1FF60] =	vst v3;
	v3 =	vld [tilespmem:s9+$0x1000]  }
0x6b: {  	v2 =	vsel vm11, v1, v2  }
0x6c: {  	v1 =	vsel vm11, v37, v1;
	vm7 =	vgt.f32 v39, v2  }
0x6d: {  	v36 =	vimm.s32 $0x0;
	v41 =	vld [tilespmem:s9+$0x1200];
	vm13 =	vgt.f32 v39, v1;
	v2 =	vsel vm7, v39, v2  }
0x6e: {  	v38 =	vimm.s32 $0x0;
	v42 =	vimm.s32 $0x0;
	v2 =	vsel vm13, v1, v2  }
0x6f: {  	v4 =	vsel vm5, $0xFFFFFFFF, v38;
	v1 =	vsel vm13, v39, v1;
	vm8 =	vgt.f32 v3, v2  }
0x70: {  	[tilespmem:$0x1FF50] =	vst v4;
	v4 =	vsel vm8, $0xFFFFFFFF, v42;
	v2 =	vsel vm8, v3, v2;
	vm8 =	vgt.f32 v3, v1  }
0x71: {  	v43 =	vld [tilespmem:s9+$0x1400];
	v5 =	vsel vm4, $0xFFFFFFFF, v36;
	v2 =	vsel vm8, v1, v2  }
0x72: {  	v1 =	vsel vm8, v3, v1;
	v3 =	vimm.s32 $0x0;
	vm15 =	vgt.f32 v41, v2  }
0x73: {  	v40 =	vimm.s32 $0x0;
	[tilespmem:$0x1FF40] =	vst v5;
	v3 =	vsel vm15, $0xFFFFFFFF, v3  }
0x74: {  	v5 =	vsel vm7, $0xFFFFFFFF, v40;
	vm7 =	vgt.f32 v41, v1;
	v2 =	vsel vm15, v41, v2;
	[tilespmem:$0x1FF90] =	vst v3;
	v3 =	vld [tilespmem:s9+$0x1600]  }
0x75: {  	v2 =	vsel vm7, v1, v2  }
0x76: {  	v1 =	vsel vm7, v41, v1;
	vm4 =	vgt.f32 v43, v2  }
0x77: {  	v45 =	vld [tilespmem:s9+$0x1800];
	vm6 =	vgt.f32 v43, v1;
	v2 =	vsel vm4, v43, v2  }
0x78: {  	v2 =	vsel vm6, v1, v2  }
0x79: {  	v46 =	vimm.s32 $0x0;
	v1 =	vsel vm6, v43, v1;
	vm5 =	vgt.f32 v3, v2  }
0x7a: {  	[tilespmem:$0x1FF80] =	vst v4;
	v4 =	vsel vm5, $0xFFFFFFFF, v46;
	v2 =	vsel vm5, v3, v2;
	vm5 =	vgt.f32 v3, v1  }
0x7b: {  	v47 =	vld [tilespmem:s9+$0x1A00];
	v2 =	vsel vm5, v1, v2  }
0x7c: {  	v1 =	vsel vm5, v3, v1;
	v3 =	vimm.s32 $0x0;
	vm15 =	vgt.f32 v45, v2  }
0x7d: {  	v3 =	vsel vm15, $0xFFFFFFFF, v3  }
0x7e: {  	vm3 =	vgt.f32 v45, v1;
	v2 =	vsel vm15, v45, v2;
	[tilespmem:$0x1FFC0] =	vst v3;
	v3 =	vld [tilespmem:s9+$0x1C00]  }
0x7f: {  	v44 =	vimm.s32 $0x0;
	v2 =	vsel vm3, v1, v2  }
0x80: {  	[tilespmem:$0x1FF70] =	vst v5;
	v5 =	vsel vm4, $0xFFFFFFFF, v44;
	v1 =	vsel vm3, v45, v1;
	vm4 =	vgt.f32 v47, v2  }
0x81: {  	v49 =	vld [tilespmem:s9+$0x1E00];
	vm1 =	vgt.f32 v47, v1;
	v2 =	vsel vm4, v47, v2  }
0x82: {  	v2 =	vsel vm1, v1, v2  }
0x83: {  	v1 =	vsel vm1, v47, v1;
	vm15 =	vgt.f32 v3, v2  }
0x84: {  	v48 =	vimm.s32 $0x0;
	vm2 =	vgt.f32 v3, v1;
	v2 =	vsel vm15, v3, v2  }
0x85: {  	[tilespmem:$0x1FFA0] =	vst v5;
	v5 =	vsel vm4, $0xFFFFFFFF, v48;
	v2 =	vsel vm2, v1, v2  }
0x86: {  	v1 =	vsel vm2, v3, v1;
	v3 =	vimm.s32 $0x0;
	vm4 =	vgt.f32 v49, v2  }
0x87: {  	v3 =	vsel vm4, $0xFFFFFFFF, v3  }
0x88: {  	[tilespmem:$0x1FFF0] =	vst v3;
	v3 =	vld [tilespmem:$0x1FEF0];
	_ =	sdelay $0x4  }
0x89: {  	vm0 =	vnez.u8 v3;
	v3 =	vld [tilespmem:$0x1FF00];
	_ =	sdelay $0x3  }
0x8a: {  	v50 =	vimm.s32 $0x0  }
0x8b: {  	[tilespmem:$0x1FFB0] =	vst v4;
	v4 =	vsel vm15, $0xFFFFFFFF, v50;
	vm15 =	vnez.u8 v3;
	v3 =	vld [tilespmem:$0x1FF10]  }
0x8c: {  	v51 =	vld [tilespmem:$0x1FF20];
	_ =	sdelay $0x1  }
0x8d: {  	v52 =	vld [tilespmem:$0x1FF30];
	v2 =	vsel vm4, v49, v2;
	vm4 =	vgt.f32 v49, v1  }
0x8e: {  	v2 =	vsel vm4, v1, v2;
	v1 =	vsel vm4, v49, v1  }
0x8f: {  	v1 =	vsub.f32 v2, v1;
	vm0 =	vmand vm0, vm15;
	vm15 =	vnez.u8 v3  }
0x90: {  	v2 =	vsel vm0, $0x1, v0;
	v3 =	vsel vm15, $0x1, v0;
	vm15 =	vnez.u8 v51  }
0x91: {  	v1 =	vmul.f32 $1.442695020e+00, v1;
	v2 =	vsel vm15, $0x2, v2  }
0x92: {  	v2 =	vsel vm14, v3, v2;
	v3 =	vsel vm14, $0x2, v3;
	vm14 =	vnez.u8 v52  }
0x93: {  	v2 =	vsel vm14, $0x3, v2  }
0x94: {  	(erf) = vpow2.f32 v1;
	v1 =	vsel vm12, v3, v2;
	v2 =	vsel vm12, $0x3, v3;
	v3 =	vld [tilespmem:$0x1FF40];
	_ =	sdelay $0x4  }
0x95: {  	vm15 =	vnez.u8 v3;
	v3 =	vld [tilespmem:$0x1FF50];
	_ =	sdelay $0x3  }
0x96: {  	v1 =	vsel vm15, $0x4, v1  }
0x97: {  	v1 =	vsel vm10, v2, v1;
	v2 =	vsel vm10, $0x4, v2;
	vm10 =	vnez.u8 v3;
	v3 =	vld [tilespmem:$0x1FF60];
	_ =	sdelay $0x4  }
0x98: {  	vm12 =	vnez.u8 v3;
	v3 =	vld [tilespmem:$0x1FF70];
	_ =	sdelay $0x1  }
0x99: {  	v53 =	vld [tilespmem:$0x1FF80];
	v1 =	vsel vm10, $0x5, v1  }
0x9a: {  	v1 =	vsel vm9, v2, v1  }
0x9b: {  	v55 =	vld [tilespmem:$0x1FF90];
	v2 =	vsel vm9, $0x5, v2;
	v1 =	vsel vm12, $0x6, v1  }
0x9c: {  	v1 =	vsel vm11, v2, v1;
	vm14 =	vnez.u8 v3  }
0x9d: {  	v56 =	vld [tilespmem:$0x1FFA0];
	v2 =	vsel vm11, $0x6, v2;
	v1 =	vsel vm14, $0x7, v1  }
0x9e: {  	vm15 =	vnez.u8 v53;
	v3 =	vpop (erf);
	v1 =	vsel vm13, v2, v1  }
0x9f: {  	v57 =	vld [tilespmem:$0x1FFB0];
	v54 =	vadd.f32 $1.000000000e+00, v3;
	v2 =	vsel vm13, $0x7, v2;
	v1 =	vsel vm15, $0x8, v1  }
0xa0: {  	vm9 =	vnez.u8 v55;
	v1 =	vsel vm8, v2, v1  }
0xa1: {  	v58 =	vld [tilespmem:$0x1FFC0];
	(erf) = vrcp.f32 v54;
	v2 =	vsel vm8, $0x8, v2;
	v1 =	vsel vm9, $0x9, v1  }
0xa2: {  	[tilespmem:$0x1FFD0] =	vst v5;
	vm10 =	vnez.u8 v56;
	v1 =	vsel vm7, v2, v1  }
0xa3: {  	v59 =	vld [tilespmem:$0x1FFD0];
	v2 =	vsel vm7, $0x9, v2;
	v1 =	vsel vm10, $0xA, v1  }
0xa4: {  	[tilespmem:$0x1FFE0] =	vst v4;
	vm11 =	vnez.u8 v57;
	v1 =	vsel vm6, v2, v1  }
0xa5: {  	v61 =	vld [tilespmem:$0x1FFE0];
	v2 =	vsel vm6, $0xA, v2;
	v1 =	vsel vm11, $0xB, v1  }
0xa6: {  	vm12 =	vnez.u8 v58;
	v1 =	vsel vm5, v2, v1  }
0xa7: {  	v62 =	vld [tilespmem:$0x1FFF0];
	v2 =	vsel vm5, $0xB, v2;
	v1 =	vsel vm12, $0xC, v1  }
0xa8: {  	vm13 =	vnez.u8 v59;
	v1 =	vsel vm3, v2, v1  }
0xa9: {  	v2 =	vsel vm3, $0xC, v2;
	v1 =	vsel vm13, $0xD, v1  }
0xaa: {  	vm14 =	vnez.u8 v61;
	v60 =	vpop (erf);
	v1 =	vsel vm1, v2, v1  }
0xab: {  	v3 =	vmul.f32 v60, v3;
	v2 =	vsel vm1, $0xD, v2;
	v1 =	vsel vm14, $0xE, v1  }
0xac: {  	s30 =	simm.s32 $0x2610;
	s28 =	simm.s32 $0x2010;
	vm15 =	vnez.u8 v62;
	[tilespmem:s1+$0x0] =	vst v60;
	v1 =	vsel vm2, v2, v1;
	v2 =	vsel vm2, $0xE, v2  }
0xad: {  	s31 =	simm.s32 $0x2210;
	s0 =	simm.s32 $0x2410;
	s4 =	simm.s32 $0x10;
	[tilespmem:s25+$0x0] =	vst v3;
	v1 =	vsel vm15, $0xF, v1;
	v63 =	vsel vm4, $0xF, v2  }
0xae: {  	s5 =	simm.s32 $0x0;
	s6 =	simm.s32 $0x2600;
	s7 =	simm.s32 $0x20;
	v1 =	vsel vm4, v2, v1;
	[tilespmem:s26+$0x0] =	vst v63  }
.LBB2_2:
0xaf: {  	s8 =	sand.u32 $0x1F0, s4;
	s5 =	sadd.s32 $0x10, s5  }
0xb0: {  	[tilespmem:s6+$0x0] =	vst v1;
	s4 =	smov.u32 s7;
	s9 =	sadd.s32 $0x10, s7;
	s6 =	smov.u32 s30  }
0xb1: {  	p0 =	sne.s32 s7, $0x1F0;
	v1 =	vld [tilespmem:s8+$0x200]  }
0xb2: {  	v2 =	vld [tilespmem:s5+$0x0];
	_ =	sdelay $0x2  }
0xb3: {  	v3 =	vld [tilespmem:s8+$0x400]  }
0xb4: {  	vm0 =	vlt.f32 v1, $-Inf;
	vm1 =	vgt.f32 v1, $-Inf  }
0xb5: {  	vm2 =	vgt.f32 v1, v2;
	vm0 =	vmor vm1, vm0  }
0xb6: {  	vm1 =	vmneg vm2;
	v4 =	vnsel vm0, $0xFF800000, v1;
	v5 =	vld [tilespmem:s8+$0x600]  }
0xb7: {  	v6 =	vsel vm2, $0x1, v0;
	v4 =	vsel vm1, v4, v2;
	vm0 =	vmand vm1, vm0  }
0xb8: {  	v1 =	vsel vm1, v2, v1;
	v7 =	vsel vm0, $0x1, v0;
	vm0 =	vgt.f32 v3, v4  }
0xb9: {  	vm1 =	vgt.f32 v3, v1;
	v2 =	vsel vm0, v3, v4;
	v4 =	vsel vm0, $0x2, v7;
	v7 =	vld [tilespmem:s8+$0x800]  }
0xba: {  	v2 =	vsel vm1, v1, v2;
	v4 =	vsel vm1, v6, v4;
	v6 =	vsel vm1, $0x2, v6  }
0xbb: {  	v1 =	vsel vm1, v3, v1;
	vm0 =	vgt.f32 v5, v2  }
0xbc: {  	vm1 =	vgt.f32 v5, v1;
	v2 =	vsel vm0, v5, v2;
	v3 =	vsel vm0, $0x3, v4;
	v4 =	vld [tilespmem:s8+$0xA00]  }
0xbd: {  	v2 =	vsel vm1, v1, v2;
	v3 =	vsel vm1, v6, v3;
	v6 =	vsel vm1, $0x3, v6  }
0xbe: {  	v1 =	vsel vm1, v5, v1;
	vm0 =	vgt.f32 v7, v2  }
0xbf: {  	vm1 =	vgt.f32 v7, v1;
	v2 =	vsel vm0, v7, v2;
	v3 =	vsel vm0, $0x4, v3;
	v5 =	vld [tilespmem:s8+$0xC00]  }
0xc0: {  	v2 =	vsel vm1, v1, v2;
	v3 =	vsel vm1, v6, v3;
	v6 =	vsel vm1, $0x4, v6  }
0xc1: {  	v1 =	vsel vm1, v7, v1;
	vm0 =	vgt.f32 v4, v2  }
0xc2: {  	vm1 =	vgt.f32 v4, v1;
	v2 =	vsel vm0, v4, v2;
	v3 =	vsel vm0, $0x5, v3;
	v7 =	vld [tilespmem:s8+$0xE00]  }
0xc3: {  	v2 =	vsel vm1, v1, v2;
	v3 =	vsel vm1, v6, v3  }
0xc4: {  	v1 =	vsel vm1, v4, v1;
	v4 =	vsel vm1, $0x5, v6;
	vm0 =	vgt.f32 v5, v2  }
0xc5: {  	vm1 =	vgt.f32 v5, v1;
	v2 =	vsel vm0, v5, v2;
	v3 =	vsel vm0, $0x6, v3;
	v6 =	vld [tilespmem:s8+$0x1000]  }
0xc6: {  	v2 =	vsel vm1, v1, v2;
	v3 =	vsel vm1, v4, v3;
	v1 =	vsel vm1, v5, v1  }
0xc7: {  	v4 =	vsel vm1, $0x6, v4;
	vm0 =	vgt.f32 v7, v2  }
0xc8: {  	vm1 =	vgt.f32 v7, v1;
	v2 =	vsel vm0, v7, v2;
	v3 =	vsel vm0, $0x7, v3;
	v5 =	vld [tilespmem:s8+$0x1200]  }
0xc9: {  	v2 =	vsel vm1, v1, v2;
	v3 =	vsel vm1, v4, v3;
	v1 =	vsel vm1, v7, v1  }
0xca: {  	vm0 =	vgt.f32 v6, v2  }
0xcb: {  	v4 =	vsel vm1, $0x7, v4;
	vm1 =	vgt.f32 v6, v1;
	v2 =	vsel vm0, v6, v2;
	v7 =	vld [tilespmem:s8+$0x1400]  }
0xcc: {  	v3 =	vsel vm0, $0x8, v3;
	v2 =	vsel vm1, v1, v2;
	v1 =	vsel vm1, v6, v1  }
0xcd: {  	v3 =	vsel vm1, v4, v3;
	v4 =	vsel vm1, $0x8, v4;
	vm0 =	vgt.f32 v5, v2  }
0xce: {  	vm1 =	vgt.f32 v5, v1;
	v2 =	vsel vm0, v5, v2;
	v3 =	vsel vm0, $0x9, v3;
	v6 =	vld [tilespmem:s8+$0x1600]  }
0xcf: {  	v2 =	vsel vm1, v1, v2;
	v3 =	vsel vm1, v4, v3;
	v1 =	vsel vm1, v5, v1  }
0xd0: {  	vm0 =	vgt.f32 v7, v2  }
0xd1: {  	vm2 =	vgt.f32 v7, v1;
	v2 =	vsel vm0, v7, v2;
	v3 =	vsel vm0, $0xA, v3;
	v5 =	vld [tilespmem:s8+$0x1800]  }
0xd2: {  	v4 =	vsel vm1, $0x9, v4;
	v2 =	vsel vm2, v1, v2;
	v1 =	vsel vm2, v7, v1  }
0xd3: {  	v3 =	vsel vm2, v4, v3;
	vm0 =	vgt.f32 v6, v2  }
0xd4: {  	vm1 =	vgt.f32 v6, v1;
	v2 =	vsel vm0, v6, v2;
	v3 =	vsel vm0, $0xB, v3;
	v7 =	vld [tilespmem:s8+$0x1A00]  }
0xd5: {  	v4 =	vsel vm2, $0xA, v4;
	v2 =	vsel vm1, v1, v2;
	v1 =	vsel vm1, v6, v1  }
0xd6: {  	v3 =	vsel vm1, v4, v3;
	v4 =	vsel vm1, $0xB, v4;
	vm0 =	vgt.f32 v5, v2  }
0xd7: {  	vm1 =	vgt.f32 v5, v1;
	v2 =	vsel vm0, v5, v2;
	v3 =	vsel vm0, $0xC, v3;
	v6 =	vld [tilespmem:s8+$0x1C00]  }
0xd8: {  	v2 =	vsel vm1, v1, v2;
	v3 =	vsel vm1, v4, v3;
	v1 =	vsel vm1, v5, v1  }
0xd9: {  	v4 =	vsel vm1, $0xC, v4;
	vm0 =	vgt.f32 v7, v2  }
0xda: {  	vm1 =	vgt.f32 v7, v1;
	v2 =	vsel vm0, v7, v2;
	v3 =	vsel vm0, $0xD, v3;
	v5 =	vld [tilespmem:s8+$0x1E00]  }
0xdb: {  	v2 =	vsel vm1, v1, v2;
	v3 =	vsel vm1, v4, v3;
	v1 =	vsel vm1, v7, v1  }
0xdc: {  	v4 =	vsel vm1, $0xD, v4;
	vm0 =	vgt.f32 v6, v2  }
0xdd: {  	vm1 =	vgt.f32 v6, v1;
	v2 =	vsel vm0, v6, v2;
	v3 =	vsel vm0, $0xE, v3  }
0xde: {  	v2 =	vsel vm1, v1, v2;
	v3 =	vsel vm1, v4, v3  }
0xdf: {  	v6 =	vsel vm1, v6, v1;
	v4 =	vsel vm1, $0xE, v4;
	vm1 =	vgt.f32 v5, v2  }
0xe0: {  	vm0 =	vgt.f32 v5, v6;
	v1 =	vsel vm1, v5, v2;
	v2 =	vsel vm1, $0xF, v3  }
0xe1: {  	v3 =	vsel vm0, v6, v1;
	v1 =	vsel vm0, v4, v2;
	v2 =	vsel vm0, v5, v6  }
0xe2: {  	v2 =	vsub.f32 v3, v2;
	_ =	sdelay $0x1  }
0xe3: {  	v2 =	vmul.f32 $1.442695020e+00, v2;
	_ =	sdelay $0x1  }
0xe4: {  	(erf) = vpow2.f32 v2;
	_ =	sdelay $0x8  }
0xe5: {  	v2 =	vpop (erf)  }
0xe6: {  	v3 =	vadd.f32 $1.000000000e+00, v2;
	_ =	sdelay $0x1  }
0xe7: {  	(erf) = vrcp.f32 v3;
	_ =	sdelay $0x8  }
.Ltmp0:
0xe8: {  	v3 =	vpop (erf);
	(pc) =	sbr.rel @p0 .LBB2_2-.Ltmp0, $4  }
0xe9: {  	v2 =	vmul.f32 v3, v2  }
0xea: {  	[tilespmem:s28+$0x0] =	vst v3  }
0xeb: {  	s30 =	sadd.s32 $0x10, s30;
	s7 =	smov.u32 s9;
	v3 =	vsel vm0, $0xF, v4;
	[tilespmem:s31+$0x0] =	vst v2  }
0xec: {  	s28 =	sadd.s32 $0x10, s28;
	s31 =	sadd.s32 $0x10, s31;
	[tilespmem:s0+$0x0] =	vst v3;
	s0 =	sadd.s32 $0x10, s0  }
0xed: {  	s4 =	sand.u32 $0x1F0, s4;
	[tilespmem:s6+$0x0] =	vst v1  }
0xee: {  	s5 =	sadd.s32 $0x10, s5;
	v1 =	vld [tilespmem:s4+$0x200]  }
0xef: {  	v2 =	vld [tilespmem:s5+$0x0];
	_ =	sdelay $0x3  }
0xf0: {  	v4 =	vimm.s32 $0x0  }
0xf1: {  	v3 =	vld [tilespmem:s4+$0x400];
	vm0 =	vlt.f32 v1, $-Inf;
	vm1 =	vgt.f32 v1, $-Inf;
	vm2 =	vgt.f32 v1, v2  }
0xf2: {  	v32 =	vimm.s32 $0x0;
	v4 =	vsel vm2, $0xFFFFFFFF, v4;
	vm0 =	vmor vm1, vm0  }
0xf3: {  	v33 =	vimm.s32 $0x0;
	vm10 =	vmneg vm2;
	[tilespmem:$0x1FE00] =	vst v4;
	v4 =	vsel vm0, $0xFFFFFFFF, v32  }
0xf4: {  	v34 =	vnsel vm0, $0xFF800000, v1;
	[tilespmem:$0x1FDF0] =	vst v4;
	v4 =	vsel vm10, $0xFFFFFFFF, v33  }
0xf5: {  	v5 =	vld [tilespmem:s4+$0x600];
	[tilespmem:$0x1FDE0] =	vst v4;
	v4 =	vsel vm10, v34, v2  }
0xf6: {  	v1 =	vsel vm10, v2, v1;
	v2 =	vimm.s32 $0x0;
	vm11 =	vgt.f32 v3, v4  }
0xf7: {  	v2 =	vsel vm11, $0xFFFFFFFF, v2  }
0xf8: {  	vm14 =	vgt.f32 v3, v1;
	[tilespmem:$0x1FE10] =	vst v2;
	v2 =	vsel vm11, v3, v4  }
0xf9: {  	v35 =	vld [tilespmem:s4+$0x800];
	v2 =	vsel vm14, v1, v2  }
0xfa: {  	v1 =	vsel vm14, v3, v1;
	v3 =	vimm.s32 $0x0;
	vm4 =	vgt.f32 v5, v2  }
0xfb: {  	v3 =	vsel vm4, $0xFFFFFFFF, v3  }
0xfc: {  	vm12 =	vgt.f32 v5, v1;
	v2 =	vsel vm4, v5, v2;
	[tilespmem:$0x1FE20] =	vst v3;
	v3 =	vld [tilespmem:s4+$0xA00]  }
0xfd: {  	v2 =	vsel vm12, v1, v2  }
0xfe: {  	v1 =	vsel vm12, v5, v1;
	vm5 =	vgt.f32 v35, v2  }
0xff: {  	v37 =	vld [tilespmem:s4+$0xC00];
	vm10 =	vgt.f32 v35, v1;
	v2 =	vsel vm5, v35, v2  }
0x100: {  	v2 =	vsel vm10, v1, v2  }
0x101: {  	v1 =	vsel vm10, v35, v1;
	vm6 =	vgt.f32 v3, v2  }
0x102: {  	vm9 =	vgt.f32 v3, v1;
	v2 =	vsel vm6, v3, v2  }
0x103: {  	v39 =	vld [tilespmem:s4+$0xE00];
	v2 =	vsel vm9, v1, v2  }
0x104: {  	v1 =	vsel vm9, v3, v1;
	v3 =	vimm.s32 $0x0;
	vm7 =	vgt.f32 v37, v2  }
0x105: {  	v3 =	vsel vm7, $0xFFFFFFFF, v3  }
0x106: {  	vm11 =	vgt.f32 v37, v1;
	v2 =	vsel vm7, v37, v2;
	[tilespmem:$0x1FE50] =	vst v3;
	v3 =	vld [tilespmem:s4+$0x1000]  }
0x107: {  	v2 =	vsel vm11, v1, v2  }
0x108: {  	v1 =	vsel vm11, v37, v1;
	vm8 =	vgt.f32 v39, v2  }
0x109: {  	v41 =	vld [tilespmem:s4+$0x1200];
	vm13 =	vgt.f32 v39, v1;
	v2 =	vsel vm8, v39, v2  }
0x10a: {  	v36 =	vimm.s32 $0x0;
	v40 =	vimm.s32 $0x0;
	v2 =	vsel vm13, v1, v2  }
0x10b: {  	v5 =	vsel vm5, $0xFFFFFFFF, v36;
	v1 =	vsel vm13, v39, v1;
	vm4 =	vgt.f32 v3, v2  }
0x10c: {  	[tilespmem:$0x1FE30] =	vst v5;
	v5 =	vsel vm8, $0xFFFFFFFF, v40;
	vm8 =	vgt.f32 v3, v1;
	v2 =	vsel vm4, v3, v2  }
0x10d: {  	v43 =	vld [tilespmem:s4+$0x1400];
	v2 =	vsel vm8, v1, v2  }
0x10e: {  	v1 =	vsel vm8, v3, v1;
	v3 =	vimm.s32 $0x0;
	vm5 =	vgt.f32 v41, v2  }
0x10f: {  	v3 =	vsel vm5, $0xFFFFFFFF, v3  }
0x110: {  	vm7 =	vgt.f32 v41, v1;
	v2 =	vsel vm5, v41, v2;
	[tilespmem:$0x1FE80] =	vst v3;
	v3 =	vld [tilespmem:s4+$0x1600]  }
0x111: {  	v38 =	vimm.s32 $0x0;
	v44 =	vimm.s32 $0x0;
	v2 =	vsel vm7, v1, v2  }
0x112: {  	v4 =	vsel vm6, $0xFFFFFFFF, v38;
	v1 =	vsel vm7, v41, v1;
	vm6 =	vgt.f32 v43, v2  }
0x113: {  	v45 =	vld [tilespmem:s4+$0x1800];
	[tilespmem:$0x1FE60] =	vst v5;
	v5 =	vsel vm6, $0xFFFFFFFF, v44;
	v2 =	vsel vm6, v43, v2;
	vm6 =	vgt.f32 v43, v1  }
0x114: {  	v2 =	vsel vm6, v1, v2  }
0x115: {  	v1 =	vsel vm6, v43, v1;
	vm15 =	vgt.f32 v3, v2  }
0x116: {  	v42 =	vimm.s32 $0x0;
	vm5 =	vgt.f32 v3, v1;
	v2 =	vsel vm15, v3, v2  }
0x117: {  	v47 =	vld [tilespmem:s4+$0x1A00];
	[tilespmem:$0x1FE40] =	vst v4;
	v4 =	vsel vm4, $0xFFFFFFFF, v42;
	v2 =	vsel vm5, v1, v2  }
0x118: {  	v1 =	vsel vm5, v3, v1;
	v3 =	vimm.s32 $0x0;
	vm4 =	vgt.f32 v45, v2  }
0x119: {  	v3 =	vsel vm4, $0xFFFFFFFF, v3  }
0x11a: {  	v2 =	vsel vm4, v45, v2;
	vm4 =	vgt.f32 v45, v1;
	[tilespmem:$0x1FEB0] =	vst v3;
	v3 =	vld [tilespmem:s4+$0x1C00]  }
0x11b: {  	v46 =	vimm.s32 $0x0;
	v2 =	vsel vm4, v1, v2  }
0x11c: {  	[tilespmem:$0x1FE70] =	vst v4;
	v4 =	vsel vm15, $0xFFFFFFFF, v46;
	v1 =	vsel vm4, v45, v1;
	vm15 =	vgt.f32 v47, v2  }
0x11d: {  	v49 =	vld [tilespmem:s4+$0x1E00];
	vm3 =	vgt.f32 v47, v1;
	v2 =	vsel vm15, v47, v2  }
0x11e: {  	v48 =	vimm.s32 $0x0;
	v2 =	vsel vm3, v1, v2  }
0x11f: {  	[tilespmem:$0x1FE90] =	vst v5;
	v5 =	vsel vm15, $0xFFFFFFFF, v48;
	v1 =	vsel vm3, v47, v1;
	vm15 =	vgt.f32 v3, v2  }
0x120: {  	v50 =	vimm.s32 $0x0;
	vm2 =	vgt.f32 v3, v1;
	v2 =	vsel vm15, v3, v2  }
0x121: {  	[tilespmem:$0x1FEA0] =	vst v4;
	v4 =	vsel vm15, $0xFFFFFFFF, v50;
	v2 =	vsel vm2, v1, v2  }
0x122: {  	v1 =	vsel vm2, v3, v1;
	v3 =	vimm.s32 $0x0;
	vm15 =	vgt.f32 v49, v2  }
0x123: {  	v3 =	vsel vm15, $0xFFFFFFFF, v3  }
0x124: {  	[tilespmem:$0x1FEE0] =	vst v3;
	v3 =	vld [tilespmem:$0x1FDE0];
	_ =	sdelay $0x4  }
0x125: {  	vm0 =	vnez.u8 v3;
	v3 =	vld [tilespmem:$0x1FDF0];
	_ =	sdelay $0x4  }
0x126: {  	v2 =	vsel vm15, v49, v2;
	vm15 =	vnez.u8 v3;
	v3 =	vld [tilespmem:$0x1FE00]  }
0x127: {  	v51 =	vld [tilespmem:$0x1FE10];
	_ =	sdelay $0x1  }
0x128: {  	v52 =	vld [tilespmem:$0x1FE20];
	vm1 =	vgt.f32 v49, v1  }
0x129: {  	v2 =	vsel vm1, v1, v2;
	v1 =	vsel vm1, v49, v1  }
0x12a: {  	v1 =	vsub.f32 v2, v1;
	vm0 =	vmand vm0, vm15;
	vm15 =	vnez.u8 v3  }
0x12b: {  	v2 =	vsel vm0, $0x1, v0;
	v3 =	vsel vm15, $0x1, v0;
	vm15 =	vnez.u8 v51  }
0x12c: {  	v1 =	vmul.f32 $1.442695020e+00, v1;
	v2 =	vsel vm15, $0x2, v2  }
0x12d: {  	v2 =	vsel vm14, v3, v2;
	v3 =	vsel vm14, $0x2, v3;
	vm14 =	vnez.u8 v52  }
0x12e: {  	v2 =	vsel vm14, $0x3, v2  }
0x12f: {  	(erf) = vpow2.f32 v1;
	v1 =	vsel vm12, v3, v2;
	v2 =	vsel vm12, $0x3, v3;
	v3 =	vld [tilespmem:$0x1FE30];
	_ =	sdelay $0x4  }
0x130: {  	vm15 =	vnez.u8 v3;
	v3 =	vld [tilespmem:$0x1FE40];
	_ =	sdelay $0x3  }
0x131: {  	v1 =	vsel vm15, $0x4, v1  }
0x132: {  	v1 =	vsel vm10, v2, v1;
	v2 =	vsel vm10, $0x4, v2;
	vm10 =	vnez.u8 v3;
	v3 =	vld [tilespmem:$0x1FE50];
	_ =	sdelay $0x4  }
0x133: {  	vm12 =	vnez.u8 v3;
	v3 =	vld [tilespmem:$0x1FE60];
	_ =	sdelay $0x1  }
0x134: {  	v53 =	vld [tilespmem:$0x1FE70];
	v1 =	vsel vm10, $0x5, v1  }
0x135: {  	v1 =	vsel vm9, v2, v1  }
0x136: {  	v55 =	vld [tilespmem:$0x1FE80];
	v2 =	vsel vm9, $0x5, v2;
	v1 =	vsel vm12, $0x6, v1  }
0x137: {  	v1 =	vsel vm11, v2, v1;
	vm14 =	vnez.u8 v3  }
0x138: {  	v56 =	vld [tilespmem:$0x1FE90];
	v2 =	vsel vm11, $0x6, v2;
	v1 =	vsel vm14, $0x7, v1  }
0x139: {  	vm15 =	vnez.u8 v53;
	v3 =	vpop (erf);
	v1 =	vsel vm13, v2, v1  }
0x13a: {  	v57 =	vld [tilespmem:$0x1FEA0];
	v54 =	vadd.f32 $1.000000000e+00, v3;
	v2 =	vsel vm13, $0x7, v2;
	v1 =	vsel vm15, $0x8, v1  }
0x13b: {  	vm9 =	vnez.u8 v55;
	v1 =	vsel vm8, v2, v1  }
0x13c: {  	v58 =	vld [tilespmem:$0x1FEB0];
	(erf) = vrcp.f32 v54;
	v2 =	vsel vm8, $0x8, v2;
	v1 =	vsel vm9, $0x9, v1  }
0x13d: {  	[tilespmem:$0x1FEC0] =	vst v5;
	vm10 =	vnez.u8 v56;
	v1 =	vsel vm7, v2, v1  }
0x13e: {  	v59 =	vld [tilespmem:$0x1FEC0];
	v2 =	vsel vm7, $0x9, v2;
	v1 =	vsel vm10, $0xA, v1  }
0x13f: {  	[tilespmem:$0x1FED0] =	vst v4;
	vm11 =	vnez.u8 v57;
	v1 =	vsel vm6, v2, v1  }
0x140: {  	v61 =	vld [tilespmem:$0x1FED0];
	v2 =	vsel vm6, $0xA, v2;
	v1 =	vsel vm11, $0xB, v1  }
0x141: {  	vm12 =	vnez.u8 v58;
	v1 =	vsel vm5, v2, v1  }
0x142: {  	v62 =	vld [tilespmem:$0x1FEE0];
	v2 =	vsel vm5, $0xB, v2;
	v1 =	vsel vm12, $0xC, v1  }
0x143: {  	vm13 =	vnez.u8 v59;
	v1 =	vsel vm4, v2, v1  }
0x144: {  	v2 =	vsel vm4, $0xC, v2;
	v1 =	vsel vm13, $0xD, v1  }
0x145: {  	vm14 =	vnez.u8 v61;
	v60 =	vpop (erf);
	v1 =	vsel vm3, v2, v1  }
0x146: {  	v3 =	vmul.f32 v60, v3;
	v2 =	vsel vm3, $0xD, v2;
	v1 =	vsel vm14, $0xE, v1  }
0x147: {  	vm15 =	vnez.u8 v62;
	[tilespmem:s28+$0x0] =	vst v60;
	v1 =	vsel vm2, v2, v1;
	v2 =	vsel vm2, $0xE, v2  }
0x148: {  	[tilespmem:s31+$0x0] =	vst v3;
	v1 =	vsel vm15, $0xF, v1;
	v63 =	vsel vm1, $0xF, v2  }
0x149: {  	v1 =	vsel vm1, v2, v1;
	[tilespmem:s0+$0x0] =	vst v63  }
0x14a: {  	[tilespmem:s30+$0x0] =	vst v1  }
0x14b: {  	[hbm4b:s19+s2] =	stream.linear.scatter [tilespmem:s1], [sflag:$0x1], $0x200, $0x38;
	[tilespmem:$0x2800] =	vst v63  }
0x14c: {  	_ =	swait.ge [sflag:s24], $0x200  }
0x14d: {  	[sflag:s24] =	ssyncset.done $0x0  }
0x14e: {  	[sflag:s24] =	ssyncadd.s32 $0xFFFFFE00  }
0x14f: {  	[hbm4b:s20+s2] =	stream.linear.scatter [tilespmem:s25], [sflag:$0x1], $0x200, $0x38;
	[tilespmem:$0x2800] =	vst v63  }
0x150: {  	_ =	swait.ge [sflag:s24], $0x200  }
0x151: {  	[sflag:s24] =	ssyncset.done $0x0  }
0x152: {  	[sflag:s24] =	ssyncadd.s32 $0xFFFFFE00  }
0x153: {  	[hbm4b:s21+s2] =	stream.linear.scatter [tilespmem:s26], [sflag:$0x1], $0x200, $0x38;
	[tilespmem:$0x2800] =	vst v63  }
0x154: {  	s29 =	sadd.s32 $0x1, s29;
	_ =	swait.ge [sflag:s24], $0x200  }
0x155: {  	p0 =	sne.s32 s29, s23;
	[sflag:s24] =	ssyncset.done $0x0  }
.Ltmp1:
0x156: {  	s31 =	simm.s32 $0x2600;
	[sflag:s24] =	ssyncadd.s32 $0xFFFFFE00;
	(pc) =	sbr.rel @p0 .LBB2_1-.Ltmp1, $4  }
0x157: {  	[hbm4b:s22+s2] =	stream.linear.scatter [tilespmem:s31], [sflag:$0x1], $0x200, $0x38;
	[tilespmem:$0x2800] =	vst v63  }
0x158: {  	_ =	swait.ge [sflag:s24], $0x200  }
0x159: {  	[sflag:s24] =	ssyncset.done $0x0  }
0x15a: {  	[sflag:s24] =	ssyncadd.s32 $0xFFFFFE00  }
0x15b: {  	_ =	sfence.sel $0x180000  }
0x15c: {  	[bflag:$0x0] =	sbarrier.arrive $0xFFFF  }
0x15d: {  	_ =	strace $0x90000047  }
0x15e: {  	s0 =	stileid.u32;
	[bflag:$0x2] =	sbarrier.arrive $0xFFFF  }
0x15f: {  	p0 =	sne.s32 s0, $0x0;
	s0 =	rddreg [dreg:$0x2]  }
0x160: {  	s0 =	sadd.s32 @!p0 $0x100000, s0  }
0x161: {  	[sflag:s0] =	ssyncadd.tile.s32 @!p0 $0x1;
	_ =	shalt  }
.Lfunc_end2:
_tile_overlayer_lowered:
.L_overlay_start_2:
0x162: {  	(tag) =	ssettag $0x2  }
0x163: {  	s0 =	rddreg [dreg:$0x0];
	s2 =	stileid.u32  }
0x164: {  	s1 =	rddreg [dreg:$0x1];
	p0 =	sne.s32 s2, $0x0  }
0x165: {  	s3 =	rddreg [dreg:$0x2];
	[bflag:$0x3] =	sbarrier.arrive $0xFFFF;
	s2 =	simm.s32 @!p0 $0x1C01  }
0x166: {  	[timem:s3], [sflag:s2] =	dma.local @!p0 [hbm:s0], s1  }
0x167: {  	s0 =	simm.s32 @!p0 $0x1  }
0x168: {  	_ =	swait.ge @!p0 [sflag:s0], s1  }
0x169: {  	s1 =	ssub.s32 @!p0 $0x0, s1;
	[sflag:s0] =	ssyncset.done @!p0 $0x0  }
0x16a: {  	[sflag:s0] =	ssyncadd.s32 @!p0 s1  }
0x16b: {  	[bflag:$0x3] =	sbarrier.arrive $0xFFFF  }
0x16c: {  	_ =	shalt  }

</sc_bundles>
